<compile_context>
chip_gen: v7x
topology: tpu7x:2x2x1
jax: 0.10.2.dev20260603
libtpu: 0.0.44.dev20260713+nightly
codegen_flags: <defaults>
</compile_context>

<pallas_src>
import functools

import jax
import jax.numpy as jnp
from jax import lax
from jax.experimental import pallas as pl
from jax.experimental.pallas import tpu as pltpu
from jax.experimental.pallas import tpu_sc as plsc

N = 4096
D = 256
K = 8192
C = 100
G = 8
S = 1152
NSTEPS = 11
TN = 512
KR = K // 128
NW = 32
CH = K // NW
SUB = 32
NSUB = CH // SUB


def _fiota(shape, dim):
    return lax.broadcasted_iota(jnp.int32, shape, dim).astype(jnp.float32)


def _prep_kernel(lbl_ref, th_ref, fp_ref, sl_ref, ls_ref, nv_ref, th16_ref, ms_ref):
    lblf = lbl_ref[...].astype(jnp.float32)
    c_iota = _fiota((KR, 128, 128), 1)
    onehot = (lblf[:, None, :] == c_iota).astype(jnp.float32)

    rowsum = jnp.sum(onehot, axis=2)
    ri = _fiota((KR, KR), 0)
    rj = _fiota((KR, KR), 1)
    tril_r = (rj < ri).astype(jnp.float32)
    rowbase = jnp.dot(tril_r, rowsum, preferred_element_type=jnp.float32)

    li = _fiota((128, 128), 0)
    lj = _fiota((128, 128), 1)
    tril_lT = (li < lj).astype(jnp.float32)
    oh2 = onehot.reshape(KR * 128, 128)
    lanecum = jnp.dot(oh2, tril_lT,
                      preferred_element_type=jnp.float32).reshape(KR, 128, 128)

    rank = jnp.sum(onehot * (rowbase[:, :, None] + lanecum), axis=1)

    counts = jnp.sum(rowsum, axis=0, keepdims=True)
    spc = jnp.floor((counts + (G - 1)) * (1.0 / G))
    ci = _fiota((128, 128), 0)
    cj = _fiota((128, 128), 1)
    tril_c = (cj < ci).astype(jnp.float32)
    slot_base = lax.dot_general(spc, tril_c, (((1,), (1,)), ((), ())),
                                preferred_element_type=jnp.float32)

    sb_at = jnp.sum(onehot * slot_base[:, :, None], axis=1)
    slot_in_class = jnp.floor(rank * (1.0 / G))
    member = rank - G * slot_in_class
    flat_pos = member * S + sb_at + slot_in_class
    fp_ref[...] = flat_pos.astype(jnp.int32)

    s_iota = _fiota((S, 128), 0)
    in_range = ((s_iota >= slot_base) & (s_iota < slot_base + spc)
                ).astype(jnp.float32)
    c_row = _fiota((S, 128), 1)
    valid = jnp.sum(in_range, axis=1, keepdims=True)
    sl_ref[...] = jnp.sum(in_range * c_row, axis=1, keepdims=True) - (1.0 - valid)

    nv = jnp.clip(counts - (s_iota - slot_base) * G, 0.0, G) * in_range
    nv_ref[...] = jnp.sum(nv, axis=1, keepdims=True)

    ls_ref[...] = jnp.where(spc > 0, slot_base + spc - 1.0, -1.0)
    ms_ref[...] = jnp.max(spc, axis=1, keepdims=True)
    th16_ref[...] = jnp.broadcast_to(th_ref[...], (K, 128))


@functools.partial(
    pl.kernel,
    mesh=plsc.VectorSubcoreMesh(core_axis_name="c", subcore_axis_name="s"),
    out_type=[
        jax.ShapeDtypeStruct((S * G, D), jnp.float32),
        jax.ShapeDtypeStruct((S * G, 128), jnp.float32),
    ],
    scratch_types=[
        pltpu.VMEM((SUB,), jnp.int32),
        pltpu.VMEM((SUB,), jnp.int32),
        pltpu.VMEM((SUB, D), jnp.float32),
        pltpu.VMEM((SUB, D), jnp.float32),
        pltpu.VMEM((SUB, 128), jnp.float32),
        pltpu.VMEM((SUB, 128), jnp.float32),
        pltpu.SemaphoreType.DMA,
        pltpu.SemaphoreType.DMA,
        pltpu.SemaphoreType.DMA,
        pltpu.SemaphoreType.DMA,
    ],
)
def _sc_scatter_kernel(p_hbm, th16_hbm, fp_hbm, pg_hbm, tg_hbm,
                       idx0, idx1, pv0, pv1, tv0, tv1, si0, si1, so0, so1):
    wid = lax.axis_index("s") * 2 + lax.axis_index("c")
    base = wid * CH
    bufs = ((idx0, pv0, tv0, si0, so0), (idx1, pv1, tv1, si1, so1))

    def start_in(t, b):
        off = base + t * SUB
        idx_v, pv, tv, si, _ = bufs[b]
        return (pltpu.async_copy(fp_hbm.at[pl.ds(off, SUB)], idx_v, si),
                pltpu.async_copy(p_hbm.at[pl.ds(off, SUB)], pv, si),
                pltpu.async_copy(th16_hbm.at[pl.ds(off, SUB)], tv, si))

    def start_out(b):
        idx_v, pv, tv, _, so = bufs[b]
        return (pltpu.async_copy(pv, pg_hbm.at[idx_v], so),
                pltpu.async_copy(tv, tg_hbm.at[idx_v], so))

    h_in = [None, None]
    h_out = [None, None]
    h_in[0] = start_in(0, 0)
    for t in range(NSUB):
        b = t & 1
        nb = 1 - b
        if t + 1 < NSUB:
            if h_out[nb] is not None:
                for h in h_out[nb]:
                    h.wait()
                h_out[nb] = None
            h_in[nb] = start_in(t + 1, nb)
        for h in h_in[b]:
            h.wait()
        h_out[b] = start_out(b)
    for hs in h_out:
        if hs is not None:
            for h in hs:
                h.wait()


def _fused_kernel(x_ref, pg_ref, tg_ref, sl_ref, ls_ref, nv_ref, ms_ref,
                  out_ref, pgb_ref, thb_ref, m_ref):
    @pl.when(pl.program_id(0) == 0)
    def _():
        pgb_ref[...] = pg_ref[...].astype(jnp.bfloat16)
        thb_ref[...] = tg_ref[:, 0:1].astype(jnp.bfloat16)
    x = x_ref[...]
    ss = jnp.sum(x * x, axis=1, keepdims=True)
    xb = (x * lax.rsqrt(ss)).astype(jnp.bfloat16)
    pg = pgb_ref[...]
    th = thb_ref[...]
    sims = lax.dot_general(pg, xb, (((1,), (1,)), ((), ())),
                           preferred_element_type=jnp.float32
                           ).astype(jnp.bfloat16)
    zero = jnp.zeros((), jnp.bfloat16)
    nv = nv_ref[...]

    def masked(r):
        s_r = sims[r * S:(r + 1) * S, :]
        t_r = th[r * S:(r + 1) * S, :]
        return jnp.where((s_r >= t_r) & (nv > float(r)), s_r, zero)

    m = masked(0)
    for r in range(1, G):
        m = jnp.maximum(m, masked(r))
    lbl = sl_ref[...]

    def dstep(m, d):
        rl = jnp.concatenate([lbl[S - d:], lbl[:S - d]], axis=0)
        rm = jnp.concatenate([m[S - d:], m[:S - d]], axis=0)
        mask = ((rl == lbl) & (lbl >= 0)).astype(jnp.bfloat16)
        return jnp.maximum(m, rm * mask)

    for j in range(4):
        m = dstep(m, 1 << j)
    m_ref[...] = m
    msc = ms_ref[0, 0]
    for j in range(4, NSTEPS):
        d = 1 << j

        @pl.when(jnp.float32(d) < msc)
        def _():
            m_ref[...] = dstep(m_ref[...], d)

    m = m_ref[...]
    s_iota = _fiota((S, 128), 0)
    e_t = (s_iota == ls_ref[...]).astype(jnp.bfloat16)
    res = lax.dot_general(m, e_t, (((0,), (0,)), ((), ())),
                          preferred_element_type=jnp.float32)
    out_ref[...] = res[:, :C]


@functools.partial(jax.jit, static_argnames=("interpret",))
def _run(X, prototypes, sim_th, proto_labels, interpret=False):
    labels = proto_labels.astype(jnp.int32).reshape(KR, 128)
    flat_pos, slot_label, last_slot, nvalid, th128, maxspc = pl.pallas_call(
        _prep_kernel,
        grid=(1,),
        in_specs=[
            pl.BlockSpec((KR, 128), lambda i: (0, 0)),
            pl.BlockSpec((K, 1), lambda i: (0, 0)),
        ],
        out_specs=[
            pl.BlockSpec((KR, 128), lambda i: (0, 0)),
            pl.BlockSpec((S, 1), lambda i: (0, 0)),
            pl.BlockSpec((1, 128), lambda i: (0, 0)),
            pl.BlockSpec((S, 1), lambda i: (0, 0)),
            pl.BlockSpec((K, 128), lambda i: (0, 0)),
            pl.BlockSpec((1, 1), lambda i: (0, 0)),
        ],
        out_shape=[
            jax.ShapeDtypeStruct((KR, 128), jnp.int32),
            jax.ShapeDtypeStruct((S, 1), jnp.float32),
            jax.ShapeDtypeStruct((1, 128), jnp.float32),
            jax.ShapeDtypeStruct((S, 1), jnp.float32),
            jax.ShapeDtypeStruct((K, 128), jnp.float32),
            jax.ShapeDtypeStruct((1, 1), jnp.float32),
        ],
        interpret=interpret,
    )(labels, sim_th.astype(jnp.float32))

    flat = flat_pos.reshape(K)
    pg, tg = _sc_scatter_kernel(prototypes.astype(jnp.float32), th128, flat)

    out = pl.pallas_call(
        _fused_kernel,
        grid=(N // TN,),
        in_specs=[
            pl.BlockSpec((TN, D), lambda i: (i, 0)),
            pl.BlockSpec((S * G, D), lambda i: (0, 0)),
            pl.BlockSpec((S * G, 128), lambda i: (0, 0)),
            pl.BlockSpec((S, 1), lambda i: (0, 0)),
            pl.BlockSpec((1, 128), lambda i: (0, 0)),
            pl.BlockSpec((S, 1), lambda i: (0, 0)),
            pl.BlockSpec((1, 1), lambda i: (0, 0)),
        ],
        out_specs=pl.BlockSpec((TN, C), lambda i: (i, 0)),
        out_shape=jax.ShapeDtypeStruct((N, C), jnp.float32),
        scratch_shapes=[
            pltpu.VMEM((S * G, D), jnp.bfloat16),
            pltpu.VMEM((S * G, 1), jnp.bfloat16),
            pltpu.VMEM((S, TN), jnp.bfloat16),
        ],
        interpret=interpret,
    )(X.astype(jnp.float32), pg, tg, slot_label, last_slot, nvalid, maxspc)
    return out


def kernel(X, prototypes, sim_th, proto_labels):
    return _run(X, prototypes, sim_th, proto_labels)

# --- scband reference (transcript-rebuilt; emitter-appended) ---
"""Pipeline reference for scband-continually-learning-prototypes-63084479644188 (READ-ONLY COPY).

The authoritative reference and input builder live on the scoring server;
editing this copy changes nothing except your own understanding.
"""

import jax, jax.numpy as jnp
import numpy as np

N = 4096      # number of query samples
D = 256       # input_shape (feature dim)
K = 8192      # n_protos
C = 100       # num_classes
SIM_TH = 0.45 # sim_th_init


def setup_inputs(seed: int = 0) -> dict:
    key = jax.random.key(seed)
    k1, k2, k3 = jax.random.split(key, 3)
    X = jax.random.normal(k1, (N, D), dtype=jnp.float32)
    # learned prototype codebook, row-normalized as in the module (dot_product metric)
    P = jax.random.normal(k2, (K, D), dtype=jnp.float32)
    P = P / jnp.linalg.norm(P, axis=1, keepdims=True)
    sim_th = jnp.full((K, 1), SIM_TH, dtype=jnp.float32)
    proto_labels = jax.random.randint(k3, (K,), 0, C, dtype=jnp.int64 if jax.config.jax_enable_x64 else jnp.int32)
    return {"X": X, "prototypes": P, "sim_th": sim_th, "proto_labels": proto_labels}


def reference(X, prototypes, sim_th, proto_labels):
    # predict(X, thresholded=True): normalize queries, dot-product similarities
    Xn = X / jnp.linalg.norm(X, axis=1, keepdims=True)
    sims = prototypes @ Xn.T  # [K, N] (_calc_similarities)
    # threshold: zero out similarities below each prototype's sim_th
    sims = jnp.where(sim_th > sims, jnp.zeros_like(sims), sims)
    # per-class score = max similarity over prototypes carrying that label
    scores = jax.ops.segment_max(sims, proto_labels, num_segments=C)  # [C, N]
    scores = jnp.maximum(scores, 0.0)  # classes with no prototype get score 0
    return scores.T  # [N, C]

if __name__ == "__main__":
    import jax
    _d = setup_inputs()
    print(jax.jit(kernel)(*tuple(_d.values())))

</pallas_src>

<mosaic_0001>
#map = affine_map<(d0, d1) -> (0, 0)>
#map1 = affine_map<(d0, d1) -> (0)>
module attributes {stable_mosaic.version = 14 : i64} {
  func.func @_sc_scatter_kernel(%arg0: i32, %arg1: i32, %arg2: memref<8192x256xf32, #tpu.memory_space<hbm>>, %arg3: memref<8192x128xf32, #tpu.memory_space<hbm>>, %arg4: memref<8192xi32, #tpu.memory_space<hbm>>, %arg5: memref<9216x256xf32, #tpu.memory_space<hbm>>, %arg6: memref<9216x128xf32, #tpu.memory_space<hbm>>, %arg7: memref<32xi32, #tpu.memory_space<vmem>>, %arg8: memref<32xi32, #tpu.memory_space<vmem>>, %arg9: memref<32x256xf32, #tpu.memory_space<vmem>>, %arg10: memref<32x256xf32, #tpu.memory_space<vmem>>, %arg11: memref<32x128xf32, #tpu.memory_space<vmem>>, %arg12: memref<32x128xf32, #tpu.memory_space<vmem>>, %arg13: memref<!tpu.dma_semaphore, #tpu.memory_space<semaphore_mem>>, %arg14: memref<!tpu.dma_semaphore, #tpu.memory_space<semaphore_mem>>, %arg15: memref<!tpu.dma_semaphore, #tpu.memory_space<semaphore_mem>>, %arg16: memref<!tpu.dma_semaphore, #tpu.memory_space<semaphore_mem>>) attributes {dimension_semantics = [#tpu.dimension_semantics<core_parallel>, #tpu.dimension_semantics<subcore_parallel>], iteration_bounds = array<i64: 2, 16>, scalar_prefetch = 0 : i64, scratch_operands = 10 : i64, tpu.core_type = #tpu.core_type<sc_vector_subcore>, window_params = [{transform_indices = #map}, {transform_indices = #map}, {transform_indices = #map1}, {transform_indices = #map}, {transform_indices = #map}]} {
    %mul3A = arith.constant 2 : i32
    %mul3A_0 = arith.muli %arg1, %mul3A : i32
    %add3A = arith.addi %mul3A_0, %arg0 : i32
    %mul3A_1 = arith.constant 256 : i32
    %mul3A_2 = arith.muli %add3A, %mul3A_1 : i32
    %add3A_3 = arith.constant 0 : i32
    %add3A_4 = arith.addi %mul3A_2, %add3A_3 : i32
    %dma_start3A = tpu.memref_slice %arg4[%add3A_4] : memref<8192xi32, #tpu.memory_space<hbm>> -> memref<32xi32, #tpu.memory_space<hbm>>
    %dma_start3A_5 = tpu.memref_slice %arg4[%add3A_4] : memref<8192xi32, #tpu.memory_space<hbm>> -> memref<32xi32, #tpu.memory_space<hbm>>
    tpu.enqueue_dma source(%dma_start3A_5 : memref<32xi32, #tpu.memory_space<hbm>>) target(%arg7 : memref<32xi32, #tpu.memory_space<vmem>>) target_semaphore(%arg13 : memref<!tpu.dma_semaphore, #tpu.memory_space<semaphore_mem>>)
    %dma_start3A_6 = arith.constant 0 : i32
    %dma_start3A_7 = tpu.memref_slice %arg2[%add3A_4, %dma_start3A_6] : memref<8192x256xf32, #tpu.memory_space<hbm>> -> memref<32x256xf32, #tpu.memory_space<hbm>>
    %dma_start3A_8 = arith.constant 0 : i32
    %dma_start3A_9 = tpu.memref_slice %arg2[%add3A_4, %dma_start3A_8] : memref<8192x256xf32, #tpu.memory_space<hbm>> -> memref<32x256xf32, #tpu.memory_space<hbm>>
    tpu.enqueue_dma source(%dma_start3A_9 : memref<32x256xf32, #tpu.memory_space<hbm>>) target(%arg9 : memref<32x256xf32, #tpu.memory_space<vmem>>) target_semaphore(%arg13 : memref<!tpu.dma_semaphore, #tpu.memory_space<semaphore_mem>>)
    %dma_start3A_10 = arith.constant 0 : i32
    %dma_start3A_11 = tpu.memref_slice %arg3[%add3A_4, %dma_start3A_10] : memref<8192x128xf32, #tpu.memory_space<hbm>> -> memref<32x128xf32, #tpu.memory_space<hbm>>
    %dma_start3A_12 = arith.constant 0 : i32
    %dma_start3A_13 = tpu.memref_slice %arg3[%add3A_4, %dma_start3A_12] : memref<8192x128xf32, #tpu.memory_space<hbm>> -> memref<32x128xf32, #tpu.memory_space<hbm>>
    tpu.enqueue_dma source(%dma_start3A_13 : memref<32x128xf32, #tpu.memory_space<hbm>>) target(%arg11 : memref<32x128xf32, #tpu.memory_space<vmem>>) target_semaphore(%arg13 : memref<!tpu.dma_semaphore, #tpu.memory_space<semaphore_mem>>)
    %add3A_14 = arith.constant 32 : i32
    %add3A_15 = arith.addi %mul3A_2, %add3A_14 : i32
    %dma_start3A_16 = tpu.memref_slice %arg4[%add3A_15] : memref<8192xi32, #tpu.memory_space<hbm>> -> memref<32xi32, #tpu.memory_space<hbm>>
    %dma_start3A_17 = tpu.memref_slice %arg4[%add3A_15] : memref<8192xi32, #tpu.memory_space<hbm>> -> memref<32xi32, #tpu.memory_space<hbm>>
    tpu.enqueue_dma source(%dma_start3A_17 : memref<32xi32, #tpu.memory_space<hbm>>) target(%arg8 : memref<32xi32, #tpu.memory_space<vmem>>) target_semaphore(%arg14 : memref<!tpu.dma_semaphore, #tpu.memory_space<semaphore_mem>>)
    %dma_start3A_18 = arith.constant 0 : i32
    %dma_start3A_19 = tpu.memref_slice %arg2[%add3A_15, %dma_start3A_18] : memref<8192x256xf32, #tpu.memory_space<hbm>> -> memref<32x256xf32, #tpu.memory_space<hbm>>
    %dma_start3A_20 = arith.constant 0 : i32
    %dma_start3A_21 = tpu.memref_slice %arg2[%add3A_15, %dma_start3A_20] : memref<8192x256xf32, #tpu.memory_space<hbm>> -> memref<32x256xf32, #tpu.memory_space<hbm>>
    tpu.enqueue_dma source(%dma_start3A_21 : memref<32x256xf32, #tpu.memory_space<hbm>>) target(%arg10 : memref<32x256xf32, #tpu.memory_space<vmem>>) target_semaphore(%arg14 : memref<!tpu.dma_semaphore, #tpu.memory_space<semaphore_mem>>)
    %dma_start3A_22 = arith.constant 0 : i32
    %dma_start3A_23 = tpu.memref_slice %arg3[%add3A_15, %dma_start3A_22] : memref<8192x128xf32, #tpu.memory_space<hbm>> -> memref<32x128xf32, #tpu.memory_space<hbm>>
    %dma_start3A_24 = arith.constant 0 : i32
    %dma_start3A_25 = tpu.memref_slice %arg3[%add3A_15, %dma_start3A_24] : memref<8192x128xf32, #tpu.memory_space<hbm>> -> memref<32x128xf32, #tpu.memory_space<hbm>>
    tpu.enqueue_dma source(%dma_start3A_25 : memref<32x128xf32, #tpu.memory_space<hbm>>) target(%arg12 : memref<32x128xf32, #tpu.memory_space<vmem>>) target_semaphore(%arg14 : memref<!tpu.dma_semaphore, #tpu.memory_space<semaphore_mem>>)
    %dma_wait3A = tpu.memref_slice %arg4[%add3A_4] : memref<8192xi32, #tpu.memory_space<hbm>> -> memref<32xi32, #tpu.memory_space<hbm>>
    %dma_wait3A_26 = tpu.memref_slice %arg4[%add3A_4] : memref<8192xi32, #tpu.memory_space<hbm>> -> memref<32xi32, #tpu.memory_space<hbm>>
    tpu.wait_dma2 semaphore(%arg13 : memref<!tpu.dma_semaphore, #tpu.memory_space<semaphore_mem>>) src(%dma_wait3A_26 : memref<32xi32, #tpu.memory_space<hbm>>) dst(%arg7 : memref<32xi32, #tpu.memory_space<vmem>>)
    %dma_wait3A_27 = arith.constant 0 : i32
    %dma_wait3A_28 = tpu.memref_slice %arg2[%add3A_4, %dma_wait3A_27] : memref<8192x256xf32, #tpu.memory_space<hbm>> -> memref<32x256xf32, #tpu.memory_space<hbm>>
    %dma_wait3A_29 = arith.constant 0 : i32
    %dma_wait3A_30 = tpu.memref_slice %arg2[%add3A_4, %dma_wait3A_29] : memref<8192x256xf32, #tpu.memory_space<hbm>> -> memref<32x256xf32, #tpu.memory_space<hbm>>
    tpu.wait_dma2 semaphore(%arg13 : memref<!tpu.dma_semaphore, #tpu.memory_space<semaphore_mem>>) src(%dma_wait3A_30 : memref<32x256xf32, #tpu.memory_space<hbm>>) dst(%arg9 : memref<32x256xf32, #tpu.memory_space<vmem>>)
    %dma_wait3A_31 = arith.constant 0 : i32
    %dma_wait3A_32 = tpu.memref_slice %arg3[%add3A_4, %dma_wait3A_31] : memref<8192x128xf32, #tpu.memory_space<hbm>> -> memref<32x128xf32, #tpu.memory_space<hbm>>
    %dma_wait3A_33 = arith.constant 0 : i32
    %dma_wait3A_34 = tpu.memref_slice %arg3[%add3A_4, %dma_wait3A_33] : memref<8192x128xf32, #tpu.memory_space<hbm>> -> memref<32x128xf32, #tpu.memory_space<hbm>>
    tpu.wait_dma2 semaphore(%arg13 : memref<!tpu.dma_semaphore, #tpu.memory_space<semaphore_mem>>) src(%dma_wait3A_34 : memref<32x128xf32, #tpu.memory_space<hbm>>) dst(%arg11 : memref<32x128xf32, #tpu.memory_space<vmem>>)
    %dma_start3A_35 = arith.constant 0 : i32
    %dma_start3A_36 = arith.constant 0 : i32
    %dma_start3A_37 = tpu.memref_slice %arg5[%dma_start3A_35, %dma_start3A_36] : memref<9216x256xf32, #tpu.memory_space<hbm>> -> memref<9216x256xf32, #tpu.memory_space<hbm>>
    tpu.enqueue_indirect_dma source(%arg9 : memref<32x256xf32, #tpu.memory_space<vmem>>) target(%dma_start3A_37 : memref<9216x256xf32, #tpu.memory_space<hbm>>) offsets(%arg7 : memref<32xi32, #tpu.memory_space<vmem>>) semaphore(%arg15 : memref<!tpu.dma_semaphore, #tpu.memory_space<semaphore_mem>>)
    %dma_start3A_38 = arith.constant 0 : i32
    %dma_start3A_39 = arith.constant 0 : i32
    %dma_start3A_40 = tpu.memref_slice %arg6[%dma_start3A_38, %dma_start3A_39] : memref<9216x128xf32, #tpu.memory_space<hbm>> -> memref<9216x128xf32, #tpu.memory_space<hbm>>
    tpu.enqueue_indirect_dma source(%arg11 : memref<32x128xf32, #tpu.memory_space<vmem>>) target(%dma_start3A_40 : memref<9216x128xf32, #tpu.memory_space<hbm>>) offsets(%arg7 : memref<32xi32, #tpu.memory_space<vmem>>) semaphore(%arg15 : memref<!tpu.dma_semaphore, #tpu.memory_space<semaphore_mem>>)
    %dma_wait3A_41 = arith.constant 0 : i32
    %dma_wait3A_42 = arith.constant 0 : i32
    %dma_wait3A_43 = tpu.memref_slice %arg5[%dma_wait3A_41, %dma_wait3A_42] : memref<9216x256xf32, #tpu.memory_space<hbm>> -> memref<9216x256xf32, #tpu.memory_space<hbm>>
    tpu.wait_indirect_dma semaphore(%arg15 : memref<!tpu.dma_semaphore, #tpu.memory_space<semaphore_mem>>) src(%arg9 : memref<32x256xf32, #tpu.memory_space<vmem>>) dst(%dma_wait3A_43 : memref<9216x256xf32, #tpu.memory_space<hbm>>)
    %dma_wait3A_44 = arith.constant 0 : i32
    %dma_wait3A_45 = arith.constant 0 : i32
    %dma_wait3A_46 = tpu.memref_slice %arg6[%dma_wait3A_44, %dma_wait3A_45] : memref<9216x128xf32, #tpu.memory_space<hbm>> -> memref<9216x128xf32, #tpu.memory_space<hbm>>
    tpu.wait_indirect_dma semaphore(%arg15 : memref<!tpu.dma_semaphore, #tpu.memory_space<semaphore_mem>>) src(%arg11 : memref<32x128xf32, #tpu.memory_space<vmem>>) dst(%dma_wait3A_46 : memref<9216x128xf32, #tpu.memory_space<hbm>>)
    %add3A_47 = arith.constant 64 : i32
    %add3A_48 = arith.addi %mul3A_2, %add3A_47 : i32
    %dma_start3A_49 = tpu.memref_slice %arg4[%add3A_48] : memref<8192xi32, #tpu.memory_space<hbm>> -> memref<32xi32, #tpu.memory_space<hbm>>
    %dma_start3A_50 = tpu.memref_slice %arg4[%add3A_48] : memref<8192xi32, #tpu.memory_space<hbm>> -> memref<32xi32, #tpu.memory_space<hbm>>
    tpu.enqueue_dma source(%dma_start3A_50 : memref<32xi32, #tpu.memory_space<hbm>>) target(%arg7 : memref<32xi32, #tpu.memory_space<vmem>>) target_semaphore(%arg13 : memref<!tpu.dma_semaphore, #tpu.memory_space<semaphore_mem>>)
    %dma_start3A_51 = arith.constant 0 : i32
    %dma_start3A_52 = tpu.memref_slice %arg2[%add3A_48, %dma_start3A_51] : memref<8192x256xf32, #tpu.memory_space<hbm>> -> memref<32x256xf32, #tpu.memory_space<hbm>>
    %dma_start3A_53 = arith.constant 0 : i32
    %dma_start3A_54 = tpu.memref_slice %arg2[%add3A_48, %dma_start3A_53] : memref<8192x256xf32, #tpu.memory_space<hbm>> -> memref<32x256xf32, #tpu.memory_space<hbm>>
    tpu.enqueue_dma source(%dma_start3A_54 : memref<32x256xf32, #tpu.memory_space<hbm>>) target(%arg9 : memref<32x256xf32, #tpu.memory_space<vmem>>) target_semaphore(%arg13 : memref<!tpu.dma_semaphore, #tpu.memory_space<semaphore_mem>>)
    %dma_start3A_55 = arith.constant 0 : i32
    %dma_start3A_56 = tpu.memref_slice %arg3[%add3A_48, %dma_start3A_55] : memref<8192x128xf32, #tpu.memory_space<hbm>> -> memref<32x128xf32, #tpu.memory_space<hbm>>
    %dma_start3A_57 = arith.constant 0 : i32
    %dma_start3A_58 = tpu.memref_slice %arg3[%add3A_48, %dma_start3A_57] : memref<8192x128xf32, #tpu.memory_space<hbm>> -> memref<32x128xf32, #tpu.memory_space<hbm>>
    tpu.enqueue_dma source(%dma_start3A_58 : memref<32x128xf32, #tpu.memory_space<hbm>>) target(%arg11 : memref<32x128xf32, #tpu.memory_space<vmem>>) target_semaphore(%arg13 : memref<!tpu.dma_semaphore, #tpu.memory_space<semaphore_mem>>)
    %dma_wait3A_59 = tpu.memref_slice %arg4[%add3A_15] : memref<8192xi32, #tpu.memory_space<hbm>> -> memref<32xi32, #tpu.memory_space<hbm>>
    %dma_wait3A_60 = tpu.memref_slice %arg4[%add3A_15] : memref<8192xi32, #tpu.memory_space<hbm>> -> memref<32xi32, #tpu.memory_space<hbm>>
    tpu.wait_dma2 semaphore(%arg14 : memref<!tpu.dma_semaphore, #tpu.memory_space<semaphore_mem>>) src(%dma_wait3A_60 : memref<32xi32, #tpu.memory_space<hbm>>) dst(%arg8 : memref<32xi32, #tpu.memory_space<vmem>>)
    %dma_wait3A_61 = arith.constant 0 : i32
    %dma_wait3A_62 = tpu.memref_slice %arg2[%add3A_15, %dma_wait3A_61] : memref<8192x256xf32, #tpu.memory_space<hbm>> -> memref<32x256xf32, #tpu.memory_space<hbm>>
    %dma_wait3A_63 = arith.constant 0 : i32
    %dma_wait3A_64 = tpu.memref_slice %arg2[%add3A_15, %dma_wait3A_63] : memref<8192x256xf32, #tpu.memory_space<hbm>> -> memref<32x256xf32, #tpu.memory_space<hbm>>
    tpu.wait_dma2 semaphore(%arg14 : memref<!tpu.dma_semaphore, #tpu.memory_space<semaphore_mem>>) src(%dma_wait3A_64 : memref<32x256xf32, #tpu.memory_space<hbm>>) dst(%arg10 : memref<32x256xf32, #tpu.memory_space<vmem>>)
    %dma_wait3A_65 = arith.constant 0 : i32
    %dma_wait3A_66 = tpu.memref_slice %arg3[%add3A_15, %dma_wait3A_65] : memref<8192x128xf32, #tpu.memory_space<hbm>> -> memref<32x128xf32, #tpu.memory_space<hbm>>
    %dma_wait3A_67 = arith.constant 0 : i32
    %dma_wait3A_68 = tpu.memref_slice %arg3[%add3A_15, %dma_wait3A_67] : memref<8192x128xf32, #tpu.memory_space<hbm>> -> memref<32x128xf32, #tpu.memory_space<hbm>>
    tpu.wait_dma2 semaphore(%arg14 : memref<!tpu.dma_semaphore, #tpu.memory_space<semaphore_mem>>) src(%dma_wait3A_68 : memref<32x128xf32, #tpu.memory_space<hbm>>) dst(%arg12 : memref<32x128xf32, #tpu.memory_space<vmem>>)
    %dma_start3A_69 = arith.constant 0 : i32
    %dma_start3A_70 = arith.constant 0 : i32
    %dma_start3A_71 = tpu.memref_slice %arg5[%dma_start3A_69, %dma_start3A_70] : memref<9216x256xf32, #tpu.memory_space<hbm>> -> memref<9216x256xf32, #tpu.memory_space<hbm>>
    tpu.enqueue_indirect_dma source(%arg10 : memref<32x256xf32, #tpu.memory_space<vmem>>) target(%dma_start3A_71 : memref<9216x256xf32, #tpu.memory_space<hbm>>) offsets(%arg8 : memref<32xi32, #tpu.memory_space<vmem>>) semaphore(%arg16 : memref<!tpu.dma_semaphore, #tpu.memory_space<semaphore_mem>>)
    %dma_start3A_72 = arith.constant 0 : i32
    %dma_start3A_73 = arith.constant 0 : i32
    %dma_start3A_74 = tpu.memref_slice %arg6[%dma_start3A_72, %dma_start3A_73] : memref<9216x128xf32, #tpu.memory_space<hbm>> -> memref<9216x128xf32, #tpu.memory_space<hbm>>
    tpu.enqueue_indirect_dma source(%arg12 : memref<32x128xf32, #tpu.memory_space<vmem>>) target(%dma_start3A_74 : memref<9216x128xf32, #tpu.memory_space<hbm>>) offsets(%arg8 : memref<32xi32, #tpu.memory_space<vmem>>) semaphore(%arg16 : memref<!tpu.dma_semaphore, #tpu.memory_space<semaphore_mem>>)
    %dma_wait3A_75 = arith.constant 0 : i32
    %dma_wait3A_76 = arith.constant 0 : i32
    %dma_wait3A_77 = tpu.memref_slice %arg5[%dma_wait3A_75, %dma_wait3A_76] : memref<9216x256xf32, #tpu.memory_space<hbm>> -> memref<9216x256xf32, #tpu.memory_space<hbm>>
    tpu.wait_indirect_dma semaphore(%arg16 : memref<!tpu.dma_semaphore, #tpu.memory_space<semaphore_mem>>) src(%arg10 : memref<32x256xf32, #tpu.memory_space<vmem>>) dst(%dma_wait3A_77 : memref<9216x256xf32, #tpu.memory_space<hbm>>)
    %dma_wait3A_78 = arith.constant 0 : i32
    %dma_wait3A_79 = arith.constant 0 : i32
    %dma_wait3A_80 = tpu.memref_slice %arg6[%dma_wait3A_78, %dma_wait3A_79] : memref<9216x128xf32, #tpu.memory_space<hbm>> -> memref<9216x128xf32, #tpu.memory_space<hbm>>
    tpu.wait_indirect_dma semaphore(%arg16 : memref<!tpu.dma_semaphore, #tpu.memory_space<semaphore_mem>>) src(%arg12 : memref<32x128xf32, #tpu.memory_space<vmem>>) dst(%dma_wait3A_80 : memref<9216x128xf32, #tpu.memory_space<hbm>>)
    %add3A_81 = arith.constant 96 : i32
    %add3A_82 = arith.addi %mul3A_2, %add3A_81 : i32
    %dma_start3A_83 = tpu.memref_slice %arg4[%add3A_82] : memref<8192xi32, #tpu.memory_space<hbm>> -> memref<32xi32, #tpu.memory_space<hbm>>
    %dma_start3A_84 = tpu.memref_slice %arg4[%add3A_82] : memref<8192xi32, #tpu.memory_space<hbm>> -> memref<32xi32, #tpu.memory_space<hbm>>
    tpu.enqueue_dma source(%dma_start3A_84 : memref<32xi32, #tpu.memory_space<hbm>>) target(%arg8 : memref<32xi32, #tpu.memory_space<vmem>>) target_semaphore(%arg14 : memref<!tpu.dma_semaphore, #tpu.memory_space<semaphore_mem>>)
    %dma_start3A_85 = arith.constant 0 : i32
    %dma_start3A_86 = tpu.memref_slice %arg2[%add3A_82, %dma_start3A_85] : memref<8192x256xf32, #tpu.memory_space<hbm>> -> memref<32x256xf32, #tpu.memory_space<hbm>>
    %dma_start3A_87 = arith.constant 0 : i32
    %dma_start3A_88 = tpu.memref_slice %arg2[%add3A_82, %dma_start3A_87] : memref<8192x256xf32, #tpu.memory_space<hbm>> -> memref<32x256xf32, #tpu.memory_space<hbm>>
    tpu.enqueue_dma source(%dma_start3A_88 : memref<32x256xf32, #tpu.memory_space<hbm>>) target(%arg10 : memref<32x256xf32, #tpu.memory_space<vmem>>) target_semaphore(%arg14 : memref<!tpu.dma_semaphore, #tpu.memory_space<semaphore_mem>>)
    %dma_start3A_89 = arith.constant 0 : i32
    %dma_start3A_90 = tpu.memref_slice %arg3[%add3A_82, %dma_start3A_89] : memref<8192x128xf32, #tpu.memory_space<hbm>> -> memref<32x128xf32, #tpu.memory_space<hbm>>
    %dma_start3A_91 = arith.constant 0 : i32
    %dma_start3A_92 = tpu.memref_slice %arg3[%add3A_82, %dma_start3A_91] : memref<8192x128xf32, #tpu.memory_space<hbm>> -> memref<32x128xf32, #tpu.memory_space<hbm>>
    tpu.enqueue_dma source(%dma_start3A_92 : memref<32x128xf32, #tpu.memory_space<hbm>>) target(%arg12 : memref<32x128xf32, #tpu.memory_space<vmem>>) target_semaphore(%arg14 : memref<!tpu.dma_semaphore, #tpu.memory_space<semaphore_mem>>)
    %dma_wait3A_93 = tpu.memref_slice %arg4[%add3A_48] : memref<8192xi32, #tpu.memory_space<hbm>> -> memref<32xi32, #tpu.memory_space<hbm>>
    %dma_wait3A_94 = tpu.memref_slice %arg4[%add3A_48] : memref<8192xi32, #tpu.memory_space<hbm>> -> memref<32xi32, #tpu.memory_space<hbm>>
    tpu.wait_dma2 semaphore(%arg13 : memref<!tpu.dma_semaphore, #tpu.memory_space<semaphore_mem>>) src(%dma_wait3A_94 : memref<32xi32, #tpu.memory_space<hbm>>) dst(%arg7 : memref<32xi32, #tpu.memory_space<vmem>>)
    %dma_wait3A_95 = arith.constant 0 : i32
    %dma_wait3A_96 = tpu.memref_slice %arg2[%add3A_48, %dma_wait3A_95] : memref<8192x256xf32, #tpu.memory_space<hbm>> -> memref<32x256xf32, #tpu.memory_space<hbm>>
    %dma_wait3A_97 = arith.constant 0 : i32
    %dma_wait3A_98 = tpu.memref_slice %arg2[%add3A_48, %dma_wait3A_97] : memref<8192x256xf32, #tpu.memory_space<hbm>> -> memref<32x256xf32, #tpu.memory_space<hbm>>
    tpu.wait_dma2 semaphore(%arg13 : memref<!tpu.dma_semaphore, #tpu.memory_space<semaphore_mem>>) src(%dma_wait3A_98 : memref<32x256xf32, #tpu.memory_space<hbm>>) dst(%arg9 : memref<32x256xf32, #tpu.memory_space<vmem>>)
    %dma_wait3A_99 = arith.constant 0 : i32
    %dma_wait3A_100 = tpu.memref_slice %arg3[%add3A_48, %dma_wait3A_99] : memref<8192x128xf32, #tpu.memory_space<hbm>> -> memref<32x128xf32, #tpu.memory_space<hbm>>
    %dma_wait3A_101 = arith.constant 0 : i32
    %dma_wait3A_102 = tpu.memref_slice %arg3[%add3A_48, %dma_wait3A_101] : memref<8192x128xf32, #tpu.memory_space<hbm>> -> memref<32x128xf32, #tpu.memory_space<hbm>>
    tpu.wait_dma2 semaphore(%arg13 : memref<!tpu.dma_semaphore, #tpu.memory_space<semaphore_mem>>) src(%dma_wait3A_102 : memref<32x128xf32, #tpu.memory_space<hbm>>) dst(%arg11 : memref<32x128xf32, #tpu.memory_space<vmem>>)
    %dma_start3A_103 = arith.constant 0 : i32
    %dma_start3A_104 = arith.constant 0 : i32
    %dma_start3A_105 = tpu.memref_slice %arg5[%dma_start3A_103, %dma_start3A_104] : memref<9216x256xf32, #tpu.memory_space<hbm>> -> memref<9216x256xf32, #tpu.memory_space<hbm>>
    tpu.enqueue_indirect_dma source(%arg9 : memref<32x256xf32, #tpu.memory_space<vmem>>) target(%dma_start3A_105 : memref<9216x256xf32, #tpu.memory_space<hbm>>) offsets(%arg7 : memref<32xi32, #tpu.memory_space<vmem>>) semaphore(%arg15 : memref<!tpu.dma_semaphore, #tpu.memory_space<semaphore_mem>>)
    %dma_start3A_106 = arith.constant 0 : i32
    %dma_start3A_107 = arith.constant 0 : i32
    %dma_start3A_108 = tpu.memref_slice %arg6[%dma_start3A_106, %dma_start3A_107] : memref<9216x128xf32, #tpu.memory_space<hbm>> -> memref<9216x128xf32, #tpu.memory_space<hbm>>
    tpu.enqueue_indirect_dma source(%arg11 : memref<32x128xf32, #tpu.memory_space<vmem>>) target(%dma_start3A_108 : memref<9216x128xf32, #tpu.memory_space<hbm>>) offsets(%arg7 : memref<32xi32, #tpu.memory_space<vmem>>) semaphore(%arg15 : memref<!tpu.dma_semaphore, #tpu.memory_space<semaphore_mem>>)
    %dma_wait3A_109 = arith.constant 0 : i32
    %dma_wait3A_110 = arith.constant 0 : i32
    %dma_wait3A_111 = tpu.memref_slice %arg5[%dma_wait3A_109, %dma_wait3A_110] : memref<9216x256xf32, #tpu.memory_space<hbm>> -> memref<9216x256xf32, #tpu.memory_space<hbm>>
    tpu.wait_indirect_dma semaphore(%arg15 : memref<!tpu.dma_semaphore, #tpu.memory_space<semaphore_mem>>) src(%arg9 : memref<32x256xf32, #tpu.memory_space<vmem>>) dst(%dma_wait3A_111 : memref<9216x256xf32, #tpu.memory_space<hbm>>)
    %dma_wait3A_112 = arith.constant 0 : i32
    %dma_wait3A_113 = arith.constant 0 : i32
    %dma_wait3A_114 = tpu.memref_slice %arg6[%dma_wait3A_112, %dma_wait3A_113] : memref<9216x128xf32, #tpu.memory_space<hbm>> -> memref<9216x128xf32, #tpu.memory_space<hbm>>
    tpu.wait_indirect_dma semaphore(%arg15 : memref<!tpu.dma_semaphore, #tpu.memory_space<semaphore_mem>>) src(%arg11 : memref<32x128xf32, #tpu.memory_space<vmem>>) dst(%dma_wait3A_114 : memref<9216x128xf32, #tpu.memory_space<hbm>>)
    %add3A_115 = arith.constant 128 : i32
    %add3A_116 = arith.addi %mul3A_2, %add3A_115 : i32
    %dma_start3A_117 = tpu.memref_slice %arg4[%add3A_116] : memref<8192xi32, #tpu.memory_space<hbm>> -> memref<32xi32, #tpu.memory_space<hbm>>
    %dma_start3A_118 = tpu.memref_slice %arg4[%add3A_116] : memref<8192xi32, #tpu.memory_space<hbm>> -> memref<32xi32, #tpu.memory_space<hbm>>
    tpu.enqueue_dma source(%dma_start3A_118 : memref<32xi32, #tpu.memory_space<hbm>>) target(%arg7 : memref<32xi32, #tpu.memory_space<vmem>>) target_semaphore(%arg13 : memref<!tpu.dma_semaphore, #tpu.memory_space<semaphore_mem>>)
    %dma_start3A_119 = arith.constant 0 : i32
    %dma_start3A_120 = tpu.memref_slice %arg2[%add3A_116, %dma_start3A_119] : memref<8192x256xf32, #tpu.memory_space<hbm>> -> memref<32x256xf32, #tpu.memory_space<hbm>>
    %dma_start3A_121 = arith.constant 0 : i32
    %dma_start3A_122 = tpu.memref_slice %arg2[%add3A_116, %dma_start3A_121] : memref<8192x256xf32, #tpu.memory_space<hbm>> -> memref<32x256xf32, #tpu.memory_space<hbm>>
    tpu.enqueue_dma source(%dma_start3A_122 : memref<32x256xf32, #tpu.memory_space<hbm>>) target(%arg9 : memref<32x256xf32, #tpu.memory_space<vmem>>) target_semaphore(%arg13 : memref<!tpu.dma_semaphore, #tpu.memory_space<semaphore_mem>>)
    %dma_start3A_123 = arith.constant 0 : i32
    %dma_start3A_124 = tpu.memref_slice %arg3[%add3A_116, %dma_start3A_123] : memref<8192x128xf32, #tpu.memory_space<hbm>> -> memref<32x128xf32, #tpu.memory_space<hbm>>
    %dma_start3A_125 = arith.constant 0 : i32
    %dma_start3A_126 = tpu.memref_slice %arg3[%add3A_116, %dma_start3A_125] : memref<8192x128xf32, #tpu.memory_space<hbm>> -> memref<32x128xf32, #tpu.memory_space<hbm>>
    tpu.enqueue_dma source(%dma_start3A_126 : memref<32x128xf32, #tpu.memory_space<hbm>>) target(%arg11 : memref<32x128xf32, #tpu.memory_space<vmem>>) target_semaphore(%arg13 : memref<!tpu.dma_semaphore, #tpu.memory_space<semaphore_mem>>)
    %dma_wait3A_127 = tpu.memref_slice %arg4[%add3A_82] : memref<8192xi32, #tpu.memory_space<hbm>> -> memref<32xi32, #tpu.memory_space<hbm>>
    %dma_wait3A_128 = tpu.memref_slice %arg4[%add3A_82] : memref<8192xi32, #tpu.memory_space<hbm>> -> memref<32xi32, #tpu.memory_space<hbm>>
    tpu.wait_dma2 semaphore(%arg14 : memref<!tpu.dma_semaphore, #tpu.memory_space<semaphore_mem>>) src(%dma_wait3A_128 : memref<32xi32, #tpu.memory_space<hbm>>) dst(%arg8 : memref<32xi32, #tpu.memory_space<vmem>>)
    %dma_wait3A_129 = arith.constant 0 : i32
    %dma_wait3A_130 = tpu.memref_slice %arg2[%add3A_82, %dma_wait3A_129] : memref<8192x256xf32, #tpu.memory_space<hbm>> -> memref<32x256xf32, #tpu.memory_space<hbm>>
    %dma_wait3A_131 = arith.constant 0 : i32
    %dma_wait3A_132 = tpu.memref_slice %arg2[%add3A_82, %dma_wait3A_131] : memref<8192x256xf32, #tpu.memory_space<hbm>> -> memref<32x256xf32, #tpu.memory_space<hbm>>
    tpu.wait_dma2 semaphore(%arg14 : memref<!tpu.dma_semaphore, #tpu.memory_space<semaphore_mem>>) src(%dma_wait3A_132 : memref<32x256xf32, #tpu.memory_space<hbm>>) dst(%arg10 : memref<32x256xf32, #tpu.memory_space<vmem>>)
    %dma_wait3A_133 = arith.constant 0 : i32
    %dma_wait3A_134 = tpu.memref_slice %arg3[%add3A_82, %dma_wait3A_133] : memref<8192x128xf32, #tpu.memory_space<hbm>> -> memref<32x128xf32, #tpu.memory_space<hbm>>
    %dma_wait3A_135 = arith.constant 0 : i32
    %dma_wait3A_136 = tpu.memref_slice %arg3[%add3A_82, %dma_wait3A_135] : memref<8192x128xf32, #tpu.memory_space<hbm>> -> memref<32x128xf32, #tpu.memory_space<hbm>>
    tpu.wait_dma2 semaphore(%arg14 : memref<!tpu.dma_semaphore, #tpu.memory_space<semaphore_mem>>) src(%dma_wait3A_136 : memref<32x128xf32, #tpu.memory_space<hbm>>) dst(%arg12 : memref<32x128xf32, #tpu.memory_space<vmem>>)
    %dma_start3A_137 = arith.constant 0 : i32
    %dma_start3A_138 = arith.constant 0 : i32
    %dma_start3A_139 = tpu.memref_slice %arg5[%dma_start3A_137, %dma_start3A_138] : memref<9216x256xf32, #tpu.memory_space<hbm>> -> memref<9216x256xf32, #tpu.memory_space<hbm>>
    tpu.enqueue_indirect_dma source(%arg10 : memref<32x256xf32, #tpu.memory_space<vmem>>) target(%dma_start3A_139 : memref<9216x256xf32, #tpu.memory_space<hbm>>) offsets(%arg8 : memref<32xi32, #tpu.memory_space<vmem>>) semaphore(%arg16 : memref<!tpu.dma_semaphore, #tpu.memory_space<semaphore_mem>>)
    %dma_start3A_140 = arith.constant 0 : i32
    %dma_start3A_141 = arith.constant 0 : i32
    %dma_start3A_142 = tpu.memref_slice %arg6[%dma_start3A_140, %dma_start3A_141] : memref<9216x128xf32, #tpu.memory_space<hbm>> -> memref<9216x128xf32, #tpu.memory_space<hbm>>
    tpu.enqueue_indirect_dma source(%arg12 : memref<32x128xf32, #tpu.memory_space<vmem>>) target(%dma_start3A_142 : memref<9216x128xf32, #tpu.memory_space<hbm>>) offsets(%arg8 : memref<32xi32, #tpu.memory_space<vmem>>) semaphore(%arg16 : memref<!tpu.dma_semaphore, #tpu.memory_space<semaphore_mem>>)
    %dma_wait3A_143 = arith.constant 0 : i32
    %dma_wait3A_144 = arith.constant 0 : i32
    %dma_wait3A_145 = tpu.memref_slice %arg5[%dma_wait3A_143, %dma_wait3A_144] : memref<9216x256xf32, #tpu.memory_space<hbm>> -> memref<9216x256xf32, #tpu.memory_space<hbm>>
    tpu.wait_indirect_dma semaphore(%arg16 : memref<!tpu.dma_semaphore, #tpu.memory_space<semaphore_mem>>) src(%arg10 : memref<32x256xf32, #tpu.memory_space<vmem>>) dst(%dma_wait3A_145 : memref<9216x256xf32, #tpu.memory_space<hbm>>)
    %dma_wait3A_146 = arith.constant 0 : i32
    %dma_wait3A_147 = arith.constant 0 : i32
    %dma_wait3A_148 = tpu.memref_slice %arg6[%dma_wait3A_146, %dma_wait3A_147] : memref<9216x128xf32, #tpu.memory_space<hbm>> -> memref<9216x128xf32, #tpu.memory_space<hbm>>
    tpu.wait_indirect_dma semaphore(%arg16 : memref<!tpu.dma_semaphore, #tpu.memory_space<semaphore_mem>>) src(%arg12 : memref<32x128xf32, #tpu.memory_space<vmem>>) dst(%dma_wait3A_148 : memref<9216x128xf32, #tpu.memory_space<hbm>>)
    %add3A_149 = arith.constant 160 : i32
    %add3A_150 = arith.addi %mul3A_2, %add3A_149 : i32
    %dma_start3A_151 = tpu.memref_slice %arg4[%add3A_150] : memref<8192xi32, #tpu.memory_space<hbm>> -> memref<32xi32, #tpu.memory_space<hbm>>
    %dma_start3A_152 = tpu.memref_slice %arg4[%add3A_150] : memref<8192xi32, #tpu.memory_space<hbm>> -> memref<32xi32, #tpu.memory_space<hbm>>
    tpu.enqueue_dma source(%dma_start3A_152 : memref<32xi32, #tpu.memory_space<hbm>>) target(%arg8 : memref<32xi32, #tpu.memory_space<vmem>>) target_semaphore(%arg14 : memref<!tpu.dma_semaphore, #tpu.memory_space<semaphore_mem>>)
    %dma_start3A_153 = arith.constant 0 : i32
    %dma_start3A_154 = tpu.memref_slice %arg2[%add3A_150, %dma_start3A_153] : memref<8192x256xf32, #tpu.memory_space<hbm>> -> memref<32x256xf32, #tpu.memory_space<hbm>>
    %dma_start3A_155 = arith.constant 0 : i32
    %dma_start3A_156 = tpu.memref_slice %arg2[%add3A_150, %dma_start3A_155] : memref<8192x256xf32, #tpu.memory_space<hbm>> -> memref<32x256xf32, #tpu.memory_space<hbm>>
    tpu.enqueue_dma source(%dma_start3A_156 : memref<32x256xf32, #tpu.memory_space<hbm>>) target(%arg10 : memref<32x256xf32, #tpu.memory_space<vmem>>) target_semaphore(%arg14 : memref<!tpu.dma_semaphore, #tpu.memory_space<semaphore_mem>>)
    %dma_start3A_157 = arith.constant 0 : i32
    %dma_start3A_158 = tpu.memref_slice %arg3[%add3A_150, %dma_start3A_157] : memref<8192x128xf32, #tpu.memory_space<hbm>> -> memref<32x128xf32, #tpu.memory_space<hbm>>
    %dma_start3A_159 = arith.constant 0 : i32
    %dma_start3A_160 = tpu.memref_slice %arg3[%add3A_150, %dma_start3A_159] : memref<8192x128xf32, #tpu.memory_space<hbm>> -> memref<32x128xf32, #tpu.memory_space<hbm>>
    tpu.enqueue_dma source(%dma_start3A_160 : memref<32x128xf32, #tpu.memory_space<hbm>>) target(%arg12 : memref<32x128xf32, #tpu.memory_space<vmem>>) target_semaphore(%arg14 : memref<!tpu.dma_semaphore, #tpu.memory_space<semaphore_mem>>)
    %dma_wait3A_161 = tpu.memref_slice %arg4[%add3A_116] : memref<8192xi32, #tpu.memory_space<hbm>> -> memref<32xi32, #tpu.memory_space<hbm>>
    %dma_wait3A_162 = tpu.memref_slice %arg4[%add3A_116] : memref<8192xi32, #tpu.memory_space<hbm>> -> memref<32xi32, #tpu.memory_space<hbm>>
    tpu.wait_dma2 semaphore(%arg13 : memref<!tpu.dma_semaphore, #tpu.memory_space<semaphore_mem>>) src(%dma_wait3A_162 : memref<32xi32, #tpu.memory_space<hbm>>) dst(%arg7 : memref<32xi32, #tpu.memory_space<vmem>>)
    %dma_wait3A_163 = arith.constant 0 : i32
    %dma_wait3A_164 = tpu.memref_slice %arg2[%add3A_116, %dma_wait3A_163] : memref<8192x256xf32, #tpu.memory_space<hbm>> -> memref<32x256xf32, #tpu.memory_space<hbm>>
    %dma_wait3A_165 = arith.constant 0 : i32
    %dma_wait3A_166 = tpu.memref_slice %arg2[%add3A_116, %dma_wait3A_165] : memref<8192x256xf32, #tpu.memory_space<hbm>> -> memref<32x256xf32, #tpu.memory_space<hbm>>
    tpu.wait_dma2 semaphore(%arg13 : memref<!tpu.dma_semaphore, #tpu.memory_space<semaphore_mem>>) src(%dma_wait3A_166 : memref<32x256xf32, #tpu.memory_space<hbm>>) dst(%arg9 : memref<32x256xf32, #tpu.memory_space<vmem>>)
    %dma_wait3A_167 = arith.constant 0 : i32
    %dma_wait3A_168 = tpu.memref_slice %arg3[%add3A_116, %dma_wait3A_167] : memref<8192x128xf32, #tpu.memory_space<hbm>> -> memref<32x128xf32, #tpu.memory_space<hbm>>
    %dma_wait3A_169 = arith.constant 0 : i32
    %dma_wait3A_170 = tpu.memref_slice %arg3[%add3A_116, %dma_wait3A_169] : memref<8192x128xf32, #tpu.memory_space<hbm>> -> memref<32x128xf32, #tpu.memory_space<hbm>>
    tpu.wait_dma2 semaphore(%arg13 : memref<!tpu.dma_semaphore, #tpu.memory_space<semaphore_mem>>) src(%dma_wait3A_170 : memref<32x128xf32, #tpu.memory_space<hbm>>) dst(%arg11 : memref<32x128xf32, #tpu.memory_space<vmem>>)
    %dma_start3A_171 = arith.constant 0 : i32
    %dma_start3A_172 = arith.constant 0 : i32
    %dma_start3A_173 = tpu.memref_slice %arg5[%dma_start3A_171, %dma_start3A_172] : memref<9216x256xf32, #tpu.memory_space<hbm>> -> memref<9216x256xf32, #tpu.memory_space<hbm>>
    tpu.enqueue_indirect_dma source(%arg9 : memref<32x256xf32, #tpu.memory_space<vmem>>) target(%dma_start3A_173 : memref<9216x256xf32, #tpu.memory_space<hbm>>) offsets(%arg7 : memref<32xi32, #tpu.memory_space<vmem>>) semaphore(%arg15 : memref<!tpu.dma_semaphore, #tpu.memory_space<semaphore_mem>>)
    %dma_start3A_174 = arith.constant 0 : i32
    %dma_start3A_175 = arith.constant 0 : i32
    %dma_start3A_176 = tpu.memref_slice %arg6[%dma_start3A_174, %dma_start3A_175] : memref<9216x128xf32, #tpu.memory_space<hbm>> -> memref<9216x128xf32, #tpu.memory_space<hbm>>
    tpu.enqueue_indirect_dma source(%arg11 : memref<32x128xf32, #tpu.memory_space<vmem>>) target(%dma_start3A_176 : memref<9216x128xf32, #tpu.memory_space<hbm>>) offsets(%arg7 : memref<32xi32, #tpu.memory_space<vmem>>) semaphore(%arg15 : memref<!tpu.dma_semaphore, #tpu.memory_space<semaphore_mem>>)
    %dma_wait3A_177 = arith.constant 0 : i32
    %dma_wait3A_178 = arith.constant 0 : i32
    %dma_wait3A_179 = tpu.memref_slice %arg5[%dma_wait3A_177, %dma_wait3A_178] : memref<9216x256xf32, #tpu.memory_space<hbm>> -> memref<9216x256xf32, #tpu.memory_space<hbm>>
    tpu.wait_indirect_dma semaphore(%arg15 : memref<!tpu.dma_semaphore, #tpu.memory_space<semaphore_mem>>) src(%arg9 : memref<32x256xf32, #tpu.memory_space<vmem>>) dst(%dma_wait3A_179 : memref<9216x256xf32, #tpu.memory_space<hbm>>)
    %dma_wait3A_180 = arith.constant 0 : i32
    %dma_wait3A_181 = arith.constant 0 : i32
    %dma_wait3A_182 = tpu.memref_slice %arg6[%dma_wait3A_180, %dma_wait3A_181] : memref<9216x128xf32, #tpu.memory_space<hbm>> -> memref<9216x128xf32, #tpu.memory_space<hbm>>
    tpu.wait_indirect_dma semaphore(%arg15 : memref<!tpu.dma_semaphore, #tpu.memory_space<semaphore_mem>>) src(%arg11 : memref<32x128xf32, #tpu.memory_space<vmem>>) dst(%dma_wait3A_182 : memref<9216x128xf32, #tpu.memory_space<hbm>>)
    %add3A_183 = arith.constant 192 : i32
    %add3A_184 = arith.addi %mul3A_2, %add3A_183 : i32
    %dma_start3A_185 = tpu.memref_slice %arg4[%add3A_184] : memref<8192xi32, #tpu.memory_space<hbm>> -> memref<32xi32, #tpu.memory_space<hbm>>
    %dma_start3A_186 = tpu.memref_slice %arg4[%add3A_184] : memref<8192xi32, #tpu.memory_space<hbm>> -> memref<32xi32, #tpu.memory_space<hbm>>
    tpu.enqueue_dma source(%dma_start3A_186 : memref<32xi32, #tpu.memory_space<hbm>>) target(%arg7 : memref<32xi32, #tpu.memory_space<vmem>>) target_semaphore(%arg13 : memref<!tpu.dma_semaphore, #tpu.memory_space<semaphore_mem>>)
    %dma_start3A_187 = arith.constant 0 : i32
    %dma_start3A_188 = tpu.memref_slice %arg2[%add3A_184, %dma_start3A_187] : memref<8192x256xf32, #tpu.memory_space<hbm>> -> memref<32x256xf32, #tpu.memory_space<hbm>>
    %dma_start3A_189 = arith.constant 0 : i32
    %dma_start3A_190 = tpu.memref_slice %arg2[%add3A_184, %dma_start3A_189] : memref<8192x256xf32, #tpu.memory_space<hbm>> -> memref<32x256xf32, #tpu.memory_space<hbm>>
    tpu.enqueue_dma source(%dma_start3A_190 : memref<32x256xf32, #tpu.memory_space<hbm>>) target(%arg9 : memref<32x256xf32, #tpu.memory_space<vmem>>) target_semaphore(%arg13 : memref<!tpu.dma_semaphore, #tpu.memory_space<semaphore_mem>>)
    %dma_start3A_191 = arith.constant 0 : i32
    %dma_start3A_192 = tpu.memref_slice %arg3[%add3A_184, %dma_start3A_191] : memref<8192x128xf32, #tpu.memory_space<hbm>> -> memref<32x128xf32, #tpu.memory_space<hbm>>
    %dma_start3A_193 = arith.constant 0 : i32
    %dma_start3A_194 = tpu.memref_slice %arg3[%add3A_184, %dma_start3A_193] : memref<8192x128xf32, #tpu.memory_space<hbm>> -> memref<32x128xf32, #tpu.memory_space<hbm>>
    tpu.enqueue_dma source(%dma_start3A_194 : memref<32x128xf32, #tpu.memory_space<hbm>>) target(%arg11 : memref<32x128xf32, #tpu.memory_space<vmem>>) target_semaphore(%arg13 : memref<!tpu.dma_semaphore, #tpu.memory_space<semaphore_mem>>)
    %dma_wait3A_195 = tpu.memref_slice %arg4[%add3A_150] : memref<8192xi32, #tpu.memory_space<hbm>> -> memref<32xi32, #tpu.memory_space<hbm>>
    %dma_wait3A_196 = tpu.memref_slice %arg4[%add3A_150] : memref<8192xi32, #tpu.memory_space<hbm>> -> memref<32xi32, #tpu.memory_space<hbm>>
    tpu.wait_dma2 semaphore(%arg14 : memref<!tpu.dma_semaphore, #tpu.memory_space<semaphore_mem>>) src(%dma_wait3A_196 : memref<32xi32, #tpu.memory_space<hbm>>) dst(%arg8 : memref<32xi32, #tpu.memory_space<vmem>>)
    %dma_wait3A_197 = arith.constant 0 : i32
    %dma_wait3A_198 = tpu.memref_slice %arg2[%add3A_150, %dma_wait3A_197] : memref<8192x256xf32, #tpu.memory_space<hbm>> -> memref<32x256xf32, #tpu.memory_space<hbm>>
    %dma_wait3A_199 = arith.constant 0 : i32
    %dma_wait3A_200 = tpu.memref_slice %arg2[%add3A_150, %dma_wait3A_199] : memref<8192x256xf32, #tpu.memory_space<hbm>> -> memref<32x256xf32, #tpu.memory_space<hbm>>
    tpu.wait_dma2 semaphore(%arg14 : memref<!tpu.dma_semaphore, #tpu.memory_space<semaphore_mem>>) src(%dma_wait3A_200 : memref<32x256xf32, #tpu.memory_space<hbm>>) dst(%arg10 : memref<32x256xf32, #tpu.memory_space<vmem>>)
    %dma_wait3A_201 = arith.constant 0 : i32
    %dma_wait3A_202 = tpu.memref_slice %arg3[%add3A_150, %dma_wait3A_201] : memref<8192x128xf32, #tpu.memory_space<hbm>> -> memref<32x128xf32, #tpu.memory_space<hbm>>
    %dma_wait3A_203 = arith.constant 0 : i32
    %dma_wait3A_204 = tpu.memref_slice %arg3[%add3A_150, %dma_wait3A_203] : memref<8192x128xf32, #tpu.memory_space<hbm>> -> memref<32x128xf32, #tpu.memory_space<hbm>>
    tpu.wait_dma2 semaphore(%arg14 : memref<!tpu.dma_semaphore, #tpu.memory_space<semaphore_mem>>) src(%dma_wait3A_204 : memref<32x128xf32, #tpu.memory_space<hbm>>) dst(%arg12 : memref<32x128xf32, #tpu.memory_space<vmem>>)
    %dma_start3A_205 = arith.constant 0 : i32
    %dma_start3A_206 = arith.constant 0 : i32
    %dma_start3A_207 = tpu.memref_slice %arg5[%dma_start3A_205, %dma_start3A_206] : memref<9216x256xf32, #tpu.memory_space<hbm>> -> memref<9216x256xf32, #tpu.memory_space<hbm>>
    tpu.enqueue_indirect_dma source(%arg10 : memref<32x256xf32, #tpu.memory_space<vmem>>) target(%dma_start3A_207 : memref<9216x256xf32, #tpu.memory_space<hbm>>) offsets(%arg8 : memref<32xi32, #tpu.memory_space<vmem>>) semaphore(%arg16 : memref<!tpu.dma_semaphore, #tpu.memory_space<semaphore_mem>>)
    %dma_start3A_208 = arith.constant 0 : i32
    %dma_start3A_209 = arith.constant 0 : i32
    %dma_start3A_210 = tpu.memref_slice %arg6[%dma_start3A_208, %dma_start3A_209] : memref<9216x128xf32, #tpu.memory_space<hbm>> -> memref<9216x128xf32, #tpu.memory_space<hbm>>
    tpu.enqueue_indirect_dma source(%arg12 : memref<32x128xf32, #tpu.memory_space<vmem>>) target(%dma_start3A_210 : memref<9216x128xf32, #tpu.memory_space<hbm>>) offsets(%arg8 : memref<32xi32, #tpu.memory_space<vmem>>) semaphore(%arg16 : memref<!tpu.dma_semaphore, #tpu.memory_space<semaphore_mem>>)
    %dma_wait3A_211 = arith.constant 0 : i32
    %dma_wait3A_212 = arith.constant 0 : i32
    %dma_wait3A_213 = tpu.memref_slice %arg5[%dma_wait3A_211, %dma_wait3A_212] : memref<9216x256xf32, #tpu.memory_space<hbm>> -> memref<9216x256xf32, #tpu.memory_space<hbm>>
    tpu.wait_indirect_dma semaphore(%arg16 : memref<!tpu.dma_semaphore, #tpu.memory_space<semaphore_mem>>) src(%arg10 : memref<32x256xf32, #tpu.memory_space<vmem>>) dst(%dma_wait3A_213 : memref<9216x256xf32, #tpu.memory_space<hbm>>)
    %dma_wait3A_214 = arith.constant 0 : i32
    %dma_wait3A_215 = arith.constant 0 : i32
    %dma_wait3A_216 = tpu.memref_slice %arg6[%dma_wait3A_214, %dma_wait3A_215] : memref<9216x128xf32, #tpu.memory_space<hbm>> -> memref<9216x128xf32, #tpu.memory_space<hbm>>
    tpu.wait_indirect_dma semaphore(%arg16 : memref<!tpu.dma_semaphore, #tpu.memory_space<semaphore_mem>>) src(%arg12 : memref<32x128xf32, #tpu.memory_space<vmem>>) dst(%dma_wait3A_216 : memref<9216x128xf32, #tpu.memory_space<hbm>>)
    %add3A_217 = arith.constant 224 : i32
    %add3A_218 = arith.addi %mul3A_2, %add3A_217 : i32
    %dma_start3A_219 = tpu.memref_slice %arg4[%add3A_218] : memref<8192xi32, #tpu.memory_space<hbm>> -> memref<32xi32, #tpu.memory_space<hbm>>
    %dma_start3A_220 = tpu.memref_slice %arg4[%add3A_218] : memref<8192xi32, #tpu.memory_space<hbm>> -> memref<32xi32, #tpu.memory_space<hbm>>
    tpu.enqueue_dma source(%dma_start3A_220 : memref<32xi32, #tpu.memory_space<hbm>>) target(%arg8 : memref<32xi32, #tpu.memory_space<vmem>>) target_semaphore(%arg14 : memref<!tpu.dma_semaphore, #tpu.memory_space<semaphore_mem>>)
    %dma_start3A_221 = arith.constant 0 : i32
    %dma_start3A_222 = tpu.memref_slice %arg2[%add3A_218, %dma_start3A_221] : memref<8192x256xf32, #tpu.memory_space<hbm>> -> memref<32x256xf32, #tpu.memory_space<hbm>>
    %dma_start3A_223 = arith.constant 0 : i32
    %dma_start3A_224 = tpu.memref_slice %arg2[%add3A_218, %dma_start3A_223] : memref<8192x256xf32, #tpu.memory_space<hbm>> -> memref<32x256xf32, #tpu.memory_space<hbm>>
    tpu.enqueue_dma source(%dma_start3A_224 : memref<32x256xf32, #tpu.memory_space<hbm>>) target(%arg10 : memref<32x256xf32, #tpu.memory_space<vmem>>) target_semaphore(%arg14 : memref<!tpu.dma_semaphore, #tpu.memory_space<semaphore_mem>>)
    %dma_start3A_225 = arith.constant 0 : i32
    %dma_start3A_226 = tpu.memref_slice %arg3[%add3A_218, %dma_start3A_225] : memref<8192x128xf32, #tpu.memory_space<hbm>> -> memref<32x128xf32, #tpu.memory_space<hbm>>
    %dma_start3A_227 = arith.constant 0 : i32
    %dma_start3A_228 = tpu.memref_slice %arg3[%add3A_218, %dma_start3A_227] : memref<8192x128xf32, #tpu.memory_space<hbm>> -> memref<32x128xf32, #tpu.memory_space<hbm>>
    tpu.enqueue_dma source(%dma_start3A_228 : memref<32x128xf32, #tpu.memory_space<hbm>>) target(%arg12 : memref<32x128xf32, #tpu.memory_space<vmem>>) target_semaphore(%arg14 : memref<!tpu.dma_semaphore, #tpu.memory_space<semaphore_mem>>)
    %dma_wait3A_229 = tpu.memref_slice %arg4[%add3A_184] : memref<8192xi32, #tpu.memory_space<hbm>> -> memref<32xi32, #tpu.memory_space<hbm>>
    %dma_wait3A_230 = tpu.memref_slice %arg4[%add3A_184] : memref<8192xi32, #tpu.memory_space<hbm>> -> memref<32xi32, #tpu.memory_space<hbm>>
    tpu.wait_dma2 semaphore(%arg13 : memref<!tpu.dma_semaphore, #tpu.memory_space<semaphore_mem>>) src(%dma_wait3A_230 : memref<32xi32, #tpu.memory_space<hbm>>) dst(%arg7 : memref<32xi32, #tpu.memory_space<vmem>>)
    %dma_wait3A_231 = arith.constant 0 : i32
    %dma_wait3A_232 = tpu.memref_slice %arg2[%add3A_184, %dma_wait3A_231] : memref<8192x256xf32, #tpu.memory_space<hbm>> -> memref<32x256xf32, #tpu.memory_space<hbm>>
    %dma_wait3A_233 = arith.constant 0 : i32
    %dma_wait3A_234 = tpu.memref_slice %arg2[%add3A_184, %dma_wait3A_233] : memref<8192x256xf32, #tpu.memory_space<hbm>> -> memref<32x256xf32, #tpu.memory_space<hbm>>
    tpu.wait_dma2 semaphore(%arg13 : memref<!tpu.dma_semaphore, #tpu.memory_space<semaphore_mem>>) src(%dma_wait3A_234 : memref<32x256xf32, #tpu.memory_space<hbm>>) dst(%arg9 : memref<32x256xf32, #tpu.memory_space<vmem>>)
    %dma_wait3A_235 = arith.constant 0 : i32
    %dma_wait3A_236 = tpu.memref_slice %arg3[%add3A_184, %dma_wait3A_235] : memref<8192x128xf32, #tpu.memory_space<hbm>> -> memref<32x128xf32, #tpu.memory_space<hbm>>
    %dma_wait3A_237 = arith.constant 0 : i32
    %dma_wait3A_238 = tpu.memref_slice %arg3[%add3A_184, %dma_wait3A_237] : memref<8192x128xf32, #tpu.memory_space<hbm>> -> memref<32x128xf32, #tpu.memory_space<hbm>>
    tpu.wait_dma2 semaphore(%arg13 : memref<!tpu.dma_semaphore, #tpu.memory_space<semaphore_mem>>) src(%dma_wait3A_238 : memref<32x128xf32, #tpu.memory_space<hbm>>) dst(%arg11 : memref<32x128xf32, #tpu.memory_space<vmem>>)
    %dma_start3A_239 = arith.constant 0 : i32
    %dma_start3A_240 = arith.constant 0 : i32
    %dma_start3A_241 = tpu.memref_slice %arg5[%dma_start3A_239, %dma_start3A_240] : memref<9216x256xf32, #tpu.memory_space<hbm>> -> memref<9216x256xf32, #tpu.memory_space<hbm>>
    tpu.enqueue_indirect_dma source(%arg9 : memref<32x256xf32, #tpu.memory_space<vmem>>) target(%dma_start3A_241 : memref<9216x256xf32, #tpu.memory_space<hbm>>) offsets(%arg7 : memref<32xi32, #tpu.memory_space<vmem>>) semaphore(%arg15 : memref<!tpu.dma_semaphore, #tpu.memory_space<semaphore_mem>>)
    %dma_start3A_242 = arith.constant 0 : i32
    %dma_start3A_243 = arith.constant 0 : i32
    %dma_start3A_244 = tpu.memref_slice %arg6[%dma_start3A_242, %dma_start3A_243] : memref<9216x128xf32, #tpu.memory_space<hbm>> -> memref<9216x128xf32, #tpu.memory_space<hbm>>
    tpu.enqueue_indirect_dma source(%arg11 : memref<32x128xf32, #tpu.memory_space<vmem>>) target(%dma_start3A_244 : memref<9216x128xf32, #tpu.memory_space<hbm>>) offsets(%arg7 : memref<32xi32, #tpu.memory_space<vmem>>) semaphore(%arg15 : memref<!tpu.dma_semaphore, #tpu.memory_space<semaphore_mem>>)
    %dma_wait3A_245 = tpu.memref_slice %arg4[%add3A_218] : memref<8192xi32, #tpu.memory_space<hbm>> -> memref<32xi32, #tpu.memory_space<hbm>>
    %dma_wait3A_246 = tpu.memref_slice %arg4[%add3A_218] : memref<8192xi32, #tpu.memory_space<hbm>> -> memref<32xi32, #tpu.memory_space<hbm>>
    tpu.wait_dma2 semaphore(%arg14 : memref<!tpu.dma_semaphore, #tpu.memory_space<semaphore_mem>>) src(%dma_wait3A_246 : memref<32xi32, #tpu.memory_space<hbm>>) dst(%arg8 : memref<32xi32, #tpu.memory_space<vmem>>)
    %dma_wait3A_247 = arith.constant 0 : i32
    %dma_wait3A_248 = tpu.memref_slice %arg2[%add3A_218, %dma_wait3A_247] : memref<8192x256xf32, #tpu.memory_space<hbm>> -> memref<32x256xf32, #tpu.memory_space<hbm>>
    %dma_wait3A_249 = arith.constant 0 : i32
    %dma_wait3A_250 = tpu.memref_slice %arg2[%add3A_218, %dma_wait3A_249] : memref<8192x256xf32, #tpu.memory_space<hbm>> -> memref<32x256xf32, #tpu.memory_space<hbm>>
    tpu.wait_dma2 semaphore(%arg14 : memref<!tpu.dma_semaphore, #tpu.memory_space<semaphore_mem>>) src(%dma_wait3A_250 : memref<32x256xf32, #tpu.memory_space<hbm>>) dst(%arg10 : memref<32x256xf32, #tpu.memory_space<vmem>>)
    %dma_wait3A_251 = arith.constant 0 : i32
    %dma_wait3A_252 = tpu.memref_slice %arg3[%add3A_218, %dma_wait3A_251] : memref<8192x128xf32, #tpu.memory_space<hbm>> -> memref<32x128xf32, #tpu.memory_space<hbm>>
    %dma_wait3A_253 = arith.constant 0 : i32
    %dma_wait3A_254 = tpu.memref_slice %arg3[%add3A_218, %dma_wait3A_253] : memref<8192x128xf32, #tpu.memory_space<hbm>> -> memref<32x128xf32, #tpu.memory_space<hbm>>
    tpu.wait_dma2 semaphore(%arg14 : memref<!tpu.dma_semaphore, #tpu.memory_space<semaphore_mem>>) src(%dma_wait3A_254 : memref<32x128xf32, #tpu.memory_space<hbm>>) dst(%arg12 : memref<32x128xf32, #tpu.memory_space<vmem>>)
    %dma_start3A_255 = arith.constant 0 : i32
    %dma_start3A_256 = arith.constant 0 : i32
    %dma_start3A_257 = tpu.memref_slice %arg5[%dma_start3A_255, %dma_start3A_256] : memref<9216x256xf32, #tpu.memory_space<hbm>> -> memref<9216x256xf32, #tpu.memory_space<hbm>>
    tpu.enqueue_indirect_dma source(%arg10 : memref<32x256xf32, #tpu.memory_space<vmem>>) target(%dma_start3A_257 : memref<9216x256xf32, #tpu.memory_space<hbm>>) offsets(%arg8 : memref<32xi32, #tpu.memory_space<vmem>>) semaphore(%arg16 : memref<!tpu.dma_semaphore, #tpu.memory_space<semaphore_mem>>)
    %dma_start3A_258 = arith.constant 0 : i32
    %dma_start3A_259 = arith.constant 0 : i32
    %dma_start3A_260 = tpu.memref_slice %arg6[%dma_start3A_258, %dma_start3A_259] : memref<9216x128xf32, #tpu.memory_space<hbm>> -> memref<9216x128xf32, #tpu.memory_space<hbm>>
    tpu.enqueue_indirect_dma source(%arg12 : memref<32x128xf32, #tpu.memory_space<vmem>>) target(%dma_start3A_260 : memref<9216x128xf32, #tpu.memory_space<hbm>>) offsets(%arg8 : memref<32xi32, #tpu.memory_space<vmem>>) semaphore(%arg16 : memref<!tpu.dma_semaphore, #tpu.memory_space<semaphore_mem>>)
    %dma_wait3A_261 = arith.constant 0 : i32
    %dma_wait3A_262 = arith.constant 0 : i32
    %dma_wait3A_263 = tpu.memref_slice %arg5[%dma_wait3A_261, %dma_wait3A_262] : memref<9216x256xf32, #tpu.memory_space<hbm>> -> memref<9216x256xf32, #tpu.memory_space<hbm>>
    tpu.wait_indirect_dma semaphore(%arg15 : memref<!tpu.dma_semaphore, #tpu.memory_space<semaphore_mem>>) src(%arg9 : memref<32x256xf32, #tpu.memory_space<vmem>>) dst(%dma_wait3A_263 : memref<9216x256xf32, #tpu.memory_space<hbm>>)
    %dma_wait3A_264 = arith.constant 0 : i32
    %dma_wait3A_265 = arith.constant 0 : i32
    %dma_wait3A_266 = tpu.memref_slice %arg6[%dma_wait3A_264, %dma_wait3A_265] : memref<9216x128xf32, #tpu.memory_space<hbm>> -> memref<9216x128xf32, #tpu.memory_space<hbm>>
    tpu.wait_indirect_dma semaphore(%arg15 : memref<!tpu.dma_semaphore, #tpu.memory_space<semaphore_mem>>) src(%arg11 : memref<32x128xf32, #tpu.memory_space<vmem>>) dst(%dma_wait3A_266 : memref<9216x128xf32, #tpu.memory_space<hbm>>)
    %dma_wait3A_267 = arith.constant 0 : i32
    %dma_wait3A_268 = arith.constant 0 : i32
    %dma_wait3A_269 = tpu.memref_slice %arg5[%dma_wait3A_267, %dma_wait3A_268] : memref<9216x256xf32, #tpu.memory_space<hbm>> -> memref<9216x256xf32, #tpu.memory_space<hbm>>
    tpu.wait_indirect_dma semaphore(%arg16 : memref<!tpu.dma_semaphore, #tpu.memory_space<semaphore_mem>>) src(%arg10 : memref<32x256xf32, #tpu.memory_space<vmem>>) dst(%dma_wait3A_269 : memref<9216x256xf32, #tpu.memory_space<hbm>>)
    %dma_wait3A_270 = arith.constant 0 : i32
    %dma_wait3A_271 = arith.constant 0 : i32
    %dma_wait3A_272 = tpu.memref_slice %arg6[%dma_wait3A_270, %dma_wait3A_271] : memref<9216x128xf32, #tpu.memory_space<hbm>> -> memref<9216x128xf32, #tpu.memory_space<hbm>>
    tpu.wait_indirect_dma semaphore(%arg16 : memref<!tpu.dma_semaphore, #tpu.memory_space<semaphore_mem>>) src(%arg12 : memref<32x128xf32, #tpu.memory_space<vmem>>) dst(%dma_wait3A_272 : memref<9216x128xf32, #tpu.memory_space<hbm>>)
    return
  }
}

module attributes {stable_mosaic.version = 14 : i64} {
  func.func @_fused_kernel(%arg0: i32, %arg1: memref<512x256xf32, #tpu.memory_space<vmem>>, %arg2: memref<9216x256xf32, #tpu.memory_space<vmem>>, %arg3: memref<9216x128xf32, #tpu.memory_space<vmem>>, %arg4: memref<1152x1xf32, #tpu.memory_space<vmem>>, %arg5: memref<1x128xf32, #tpu.memory_space<vmem>>, %arg6: memref<1152x1xf32, #tpu.memory_space<vmem>>, %arg7: memref<1x1xf32, #tpu.memory_space<vmem>>, %arg8: memref<512x100xf32, #tpu.memory_space<vmem>>, %arg9: memref<9216x256xbf16, #tpu.memory_space<vmem>>, %arg10: memref<9216x1xbf16, #tpu.memory_space<vmem>>, %arg11: memref<1152x512xbf16, #tpu.memory_space<vmem>>) attributes {dimension_semantics = [#tpu.dimension_semantics<arbitrary>], iteration_bounds = array<i64: 8>, scalar_prefetch = 0 : i64, scratch_operands = 3 : i64, tpu.core_type = #tpu.core_type<tc>, window_params = [{transform_indices = @transform_0, window_bounds = array<i64: 512, 256>}, {pipeline_mode = #tpu.pipeline_mode<synchronous>, transform_indices = @transform_1, window_bounds = array<i64: 9216, 256>}, {pipeline_mode = #tpu.pipeline_mode<synchronous>, transform_indices = @transform_2, window_bounds = array<i64: 9216, 128>}, {pipeline_mode = #tpu.pipeline_mode<synchronous>, transform_indices = @transform_3, window_bounds = array<i64: 1152, 1>}, {pipeline_mode = #tpu.pipeline_mode<synchronous>, transform_indices = @transform_4, window_bounds = array<i64: 1, 128>}, {pipeline_mode = #tpu.pipeline_mode<synchronous>, transform_indices = @transform_5, window_bounds = array<i64: 1152, 1>}, {pipeline_mode = #tpu.pipeline_mode<synchronous>, transform_indices = @transform_6, window_bounds = array<i64: 1, 1>}, {transform_indices = @transform_7, window_bounds = array<i64: 512, 100>}]} {
    %eq3A = arith.constant 0 : i32
    %eq3A_0 = arith.cmpi eq, %arg0, %eq3A : i32
    %convert_element_type3A = arith.extui %eq3A_0 : i1 to i32
    %cond3A = arith.constant 0 : i32
    %cond3A_1 = arith.cmpi ne, %convert_element_type3A, %cond3A : i32
    scf.if %cond3A_1 {
      %get3A_243 = arith.constant 0 : index
      %get3A_244 = arith.constant 0 : index
      %get3A_245 = vector.load %arg2[%get3A_243, %get3A_244] : memref<9216x256xf32, #tpu.memory_space<vmem>>, vector<9216x256xf32>
      %convert_element_type3A_246 = arith.truncf %get3A_245 : vector<9216x256xf32> to vector<9216x256xbf16>
      %swap3A_247 = arith.constant 0 : index
      %swap3A_248 = arith.constant 0 : index
      %swap3A_249 = vector.load %arg9[%swap3A_247, %swap3A_248] : memref<9216x256xbf16, #tpu.memory_space<vmem>>, vector<9216x256xbf16>
      tpu.vector_store %arg9[%swap3A_247, %swap3A_248], %convert_element_type3A_246 {strides = array<i32>} : memref<9216x256xbf16, #tpu.memory_space<vmem>>, vector<9216x256xbf16>,
      %get3A_250 = arith.constant 0 : index
      %get3A_251 = arith.constant 0 : index
      %get3A_252 = vector.load %arg3[%get3A_250, %get3A_251] : memref<9216x128xf32, #tpu.memory_space<vmem>>, vector<9216x1xf32>
      %convert_element_type3A_253 = arith.truncf %get3A_252 : vector<9216x1xf32> to vector<9216x1xbf16>
      %swap3A_254 = arith.constant 0 : index
      %swap3A_255 = arith.constant 0 : index
      %swap3A_256 = vector.load %arg10[%swap3A_254, %swap3A_255] : memref<9216x1xbf16, #tpu.memory_space<vmem>>, vector<9216x1xbf16>
      tpu.vector_store %arg10[%swap3A_254, %swap3A_255], %convert_element_type3A_253 {strides = array<i32>} : memref<9216x1xbf16, #tpu.memory_space<vmem>>, vector<9216x1xbf16>,
    } else {
    }
    %get3A = arith.constant 0 : index
    %get3A_2 = arith.constant 0 : index
    %get3A_3 = vector.load %arg1[%get3A, %get3A_2] : memref<512x256xf32, #tpu.memory_space<vmem>>, vector<512x256xf32>
    %mul3A = arith.mulf %get3A_3, %get3A_3 : vector<512x256xf32>
    %reduce_sum3A = arith.constant dense<0.000000e+00> : vector<512xf32>
    %reduce_sum3A_4 = vector.multi_reduction <add>, %mul3A, %reduce_sum3A [1] : vector<512x256xf32> to vector<512xf32>
    %broadcast_in_dim3A = vector.shape_cast %reduce_sum3A_4 : vector<512xf32> to vector<512x1xf32>
    %rsqrt3A = math.rsqrt %broadcast_in_dim3A : vector<512x1xf32>
    %mul3A_5 = vector.broadcast %rsqrt3A : vector<512x1xf32> to vector<512x256xf32>
    %mul3A_6 = arith.mulf %get3A_3, %mul3A_5 : vector<512x256xf32>
    %convert_element_type3A_7 = arith.truncf %mul3A_6 : vector<512x256xf32> to vector<512x256xbf16>
    %get3A_8 = arith.constant 0 : index
    %get3A_9 = arith.constant 0 : index
    %get3A_10 = vector.load %arg9[%get3A_8, %get3A_9] : memref<9216x256xbf16, #tpu.memory_space<vmem>>, vector<9216x256xbf16>
    %get3A_11 = arith.constant 0 : index
    %get3A_12 = arith.constant 0 : index
    %get3A_13 = vector.load %arg10[%get3A_11, %get3A_12] : memref<9216x1xbf16, #tpu.memory_space<vmem>>, vector<9216x1xbf16>
    %dot_general3A = arith.constant dense<0.000000e+00> : vector<9216x512xf32>
    %dot_general3A_14 = tpu.matmul %get3A_10, %convert_element_type3A_7, %dot_general3A {dimension_numbers = #tpu.dot_dimension_numbers<[1], [1], [0], [0], [0, 0, 1, 0], [], []>, transpose_lhs_hint = false} : vector<9216x256xbf16>, vector<512x256xbf16>, vector<9216x512xf32> -> vector<9216x512xf32>
    %convert_element_type3A_15 = arith.truncf %dot_general3A_14 : vector<9216x512xf32> to vector<9216x512xbf16>
    %get3A_16 = arith.constant 0 : index
    %get3A_17 = arith.constant 0 : index
    %get3A_18 = vector.load %arg6[%get3A_16, %get3A_17] : memref<1152x1xf32, #tpu.memory_space<vmem>>, vector<1152x1xf32>
    %slice3A = vector.extract_strided_slice %convert_element_type3A_15 {offsets = [0, 0], sizes = [1152, 512], strides = [1, 1]} : vector<9216x512xbf16> to vector<1152x512xbf16>
    %slice3A_19 = vector.extract_strided_slice %get3A_13 {offsets = [0, 0], sizes = [1152, 1], strides = [1, 1]} : vector<9216x1xbf16> to vector<1152x1xbf16>
    %ge3A = vector.broadcast %slice3A_19 : vector<1152x1xbf16> to vector<1152x512xbf16>
    %ge3A_20 = arith.cmpf oge, %slice3A, %ge3A : vector<1152x512xbf16>
    %gt3A = arith.constant 0.000000e+00 : f32
    %gt3A_21 = vector.broadcast %gt3A : f32 to vector<1152x1xf32>
    %gt3A_22 = arith.cmpf ogt, %get3A_18, %gt3A_21 : vector<1152x1xf32>
    %and3A = vector.broadcast %gt3A_22 : vector<1152x1xi1> to vector<1152x512xi1>
    %and3A_23 = arith.andi %ge3A_20, %and3A : vector<1152x512xi1>
    %jit3A = arith.constant 0.000000e+00 : bf16
    %broadcast_in_dim3A_24 = vector.broadcast %jit3A : bf16 to vector<1152x512xbf16>
    %select_n3A = arith.select %and3A_23, %slice3A, %broadcast_in_dim3A_24 : vector<1152x512xi1>, vector<1152x512xbf16>
    %slice3A_25 = vector.extract_strided_slice %convert_element_type3A_15 {offsets = [1152, 0], sizes = [1152, 512], strides = [1, 1]} : vector<9216x512xbf16> to vector<1152x512xbf16>
    %slice3A_26 = vector.extract_strided_slice %get3A_13 {offsets = [1152, 0], sizes = [1152, 1], strides = [1, 1]} : vector<9216x1xbf16> to vector<1152x1xbf16>
    %ge3A_27 = vector.broadcast %slice3A_26 : vector<1152x1xbf16> to vector<1152x512xbf16>
    %ge3A_28 = arith.cmpf oge, %slice3A_25, %ge3A_27 : vector<1152x512xbf16>
    %gt3A_29 = arith.constant 1.000000e+00 : f32
    %gt3A_30 = vector.broadcast %gt3A_29 : f32 to vector<1152x1xf32>
    %gt3A_31 = arith.cmpf ogt, %get3A_18, %gt3A_30 : vector<1152x1xf32>
    %and3A_32 = vector.broadcast %gt3A_31 : vector<1152x1xi1> to vector<1152x512xi1>
    %and3A_33 = arith.andi %ge3A_28, %and3A_32 : vector<1152x512xi1>
    %jit3A_34 = arith.constant 0.000000e+00 : bf16
    %broadcast_in_dim3A_35 = vector.broadcast %jit3A_34 : bf16 to vector<1152x512xbf16>
    %select_n3A_36 = arith.select %and3A_33, %slice3A_25, %broadcast_in_dim3A_35 : vector<1152x512xi1>, vector<1152x512xbf16>
    %max3A = arith.maximumf %select_n3A, %select_n3A_36 : vector<1152x512xbf16>
    %slice3A_37 = vector.extract_strided_slice %convert_element_type3A_15 {offsets = [2304, 0], sizes = [1152, 512], strides = [1, 1]} : vector<9216x512xbf16> to vector<1152x512xbf16>
    %slice3A_38 = vector.extract_strided_slice %get3A_13 {offsets = [2304, 0], sizes = [1152, 1], strides = [1, 1]} : vector<9216x1xbf16> to vector<1152x1xbf16>
    %ge3A_39 = vector.broadcast %slice3A_38 : vector<1152x1xbf16> to vector<1152x512xbf16>
    %ge3A_40 = arith.cmpf oge, %slice3A_37, %ge3A_39 : vector<1152x512xbf16>
    %gt3A_41 = arith.constant 2.000000e+00 : f32
    %gt3A_42 = vector.broadcast %gt3A_41 : f32 to vector<1152x1xf32>
    %gt3A_43 = arith.cmpf ogt, %get3A_18, %gt3A_42 : vector<1152x1xf32>
    %and3A_44 = vector.broadcast %gt3A_43 : vector<1152x1xi1> to vector<1152x512xi1>
    %and3A_45 = arith.andi %ge3A_40, %and3A_44 : vector<1152x512xi1>
    %jit3A_46 = arith.constant 0.000000e+00 : bf16
    %broadcast_in_dim3A_47 = vector.broadcast %jit3A_46 : bf16 to vector<1152x512xbf16>
    %select_n3A_48 = arith.select %and3A_45, %slice3A_37, %broadcast_in_dim3A_47 : vector<1152x512xi1>, vector<1152x512xbf16>
    %max3A_49 = arith.maximumf %max3A, %select_n3A_48 : vector<1152x512xbf16>
    %slice3A_50 = vector.extract_strided_slice %convert_element_type3A_15 {offsets = [3456, 0], sizes = [1152, 512], strides = [1, 1]} : vector<9216x512xbf16> to vector<1152x512xbf16>
    %slice3A_51 = vector.extract_strided_slice %get3A_13 {offsets = [3456, 0], sizes = [1152, 1], strides = [1, 1]} : vector<9216x1xbf16> to vector<1152x1xbf16>
    %ge3A_52 = vector.broadcast %slice3A_51 : vector<1152x1xbf16> to vector<1152x512xbf16>
    %ge3A_53 = arith.cmpf oge, %slice3A_50, %ge3A_52 : vector<1152x512xbf16>
    %gt3A_54 = arith.constant 3.000000e+00 : f32
    %gt3A_55 = vector.broadcast %gt3A_54 : f32 to vector<1152x1xf32>
    %gt3A_56 = arith.cmpf ogt, %get3A_18, %gt3A_55 : vector<1152x1xf32>
    %and3A_57 = vector.broadcast %gt3A_56 : vector<1152x1xi1> to vector<1152x512xi1>
    %and3A_58 = arith.andi %ge3A_53, %and3A_57 : vector<1152x512xi1>
    %jit3A_59 = arith.constant 0.000000e+00 : bf16
    %broadcast_in_dim3A_60 = vector.broadcast %jit3A_59 : bf16 to vector<1152x512xbf16>
    %select_n3A_61 = arith.select %and3A_58, %slice3A_50, %broadcast_in_dim3A_60 : vector<1152x512xi1>, vector<1152x512xbf16>
    %max3A_62 = arith.maximumf %max3A_49, %select_n3A_61 : vector<1152x512xbf16>
    %slice3A_63 = vector.extract_strided_slice %convert_element_type3A_15 {offsets = [4608, 0], sizes = [1152, 512], strides = [1, 1]} : vector<9216x512xbf16> to vector<1152x512xbf16>
    %slice3A_64 = vector.extract_strided_slice %get3A_13 {offsets = [4608, 0], sizes = [1152, 1], strides = [1, 1]} : vector<9216x1xbf16> to vector<1152x1xbf16>
    %ge3A_65 = vector.broadcast %slice3A_64 : vector<1152x1xbf16> to vector<1152x512xbf16>
    %ge3A_66 = arith.cmpf oge, %slice3A_63, %ge3A_65 : vector<1152x512xbf16>
    %gt3A_67 = arith.constant 4.000000e+00 : f32
    %gt3A_68 = vector.broadcast %gt3A_67 : f32 to vector<1152x1xf32>
    %gt3A_69 = arith.cmpf ogt, %get3A_18, %gt3A_68 : vector<1152x1xf32>
    %and3A_70 = vector.broadcast %gt3A_69 : vector<1152x1xi1> to vector<1152x512xi1>
    %and3A_71 = arith.andi %ge3A_66, %and3A_70 : vector<1152x512xi1>
    %jit3A_72 = arith.constant 0.000000e+00 : bf16
    %broadcast_in_dim3A_73 = vector.broadcast %jit3A_72 : bf16 to vector<1152x512xbf16>
    %select_n3A_74 = arith.select %and3A_71, %slice3A_63, %broadcast_in_dim3A_73 : vector<1152x512xi1>, vector<1152x512xbf16>
    %max3A_75 = arith.maximumf %max3A_62, %select_n3A_74 : vector<1152x512xbf16>
    %slice3A_76 = vector.extract_strided_slice %convert_element_type3A_15 {offsets = [5760, 0], sizes = [1152, 512], strides = [1, 1]} : vector<9216x512xbf16> to vector<1152x512xbf16>
    %slice3A_77 = vector.extract_strided_slice %get3A_13 {offsets = [5760, 0], sizes = [1152, 1], strides = [1, 1]} : vector<9216x1xbf16> to vector<1152x1xbf16>
    %ge3A_78 = vector.broadcast %slice3A_77 : vector<1152x1xbf16> to vector<1152x512xbf16>
    %ge3A_79 = arith.cmpf oge, %slice3A_76, %ge3A_78 : vector<1152x512xbf16>
    %gt3A_80 = arith.constant 5.000000e+00 : f32
    %gt3A_81 = vector.broadcast %gt3A_80 : f32 to vector<1152x1xf32>
    %gt3A_82 = arith.cmpf ogt, %get3A_18, %gt3A_81 : vector<1152x1xf32>
    %and3A_83 = vector.broadcast %gt3A_82 : vector<1152x1xi1> to vector<1152x512xi1>
    %and3A_84 = arith.andi %ge3A_79, %and3A_83 : vector<1152x512xi1>
    %jit3A_85 = arith.constant 0.000000e+00 : bf16
    %broadcast_in_dim3A_86 = vector.broadcast %jit3A_85 : bf16 to vector<1152x512xbf16>
    %select_n3A_87 = arith.select %and3A_84, %slice3A_76, %broadcast_in_dim3A_86 : vector<1152x512xi1>, vector<1152x512xbf16>
    %max3A_88 = arith.maximumf %max3A_75, %select_n3A_87 : vector<1152x512xbf16>
    %slice3A_89 = vector.extract_strided_slice %convert_element_type3A_15 {offsets = [6912, 0], sizes = [1152, 512], strides = [1, 1]} : vector<9216x512xbf16> to vector<1152x512xbf16>
    %slice3A_90 = vector.extract_strided_slice %get3A_13 {offsets = [6912, 0], sizes = [1152, 1], strides = [1, 1]} : vector<9216x1xbf16> to vector<1152x1xbf16>
    %ge3A_91 = vector.broadcast %slice3A_90 : vector<1152x1xbf16> to vector<1152x512xbf16>
    %ge3A_92 = arith.cmpf oge, %slice3A_89, %ge3A_91 : vector<1152x512xbf16>
    %gt3A_93 = arith.constant 6.000000e+00 : f32
    %gt3A_94 = vector.broadcast %gt3A_93 : f32 to vector<1152x1xf32>
    %gt3A_95 = arith.cmpf ogt, %get3A_18, %gt3A_94 : vector<1152x1xf32>
    %and3A_96 = vector.broadcast %gt3A_95 : vector<1152x1xi1> to vector<1152x512xi1>
    %and3A_97 = arith.andi %ge3A_92, %and3A_96 : vector<1152x512xi1>
    %jit3A_98 = arith.constant 0.000000e+00 : bf16
    %broadcast_in_dim3A_99 = vector.broadcast %jit3A_98 : bf16 to vector<1152x512xbf16>
    %select_n3A_100 = arith.select %and3A_97, %slice3A_89, %broadcast_in_dim3A_99 : vector<1152x512xi1>, vector<1152x512xbf16>
    %max3A_101 = arith.maximumf %max3A_88, %select_n3A_100 : vector<1152x512xbf16>
    %slice3A_102 = vector.extract_strided_slice %convert_element_type3A_15 {offsets = [8064, 0], sizes = [1152, 512], strides = [1, 1]} : vector<9216x512xbf16> to vector<1152x512xbf16>
    %slice3A_103 = vector.extract_strided_slice %get3A_13 {offsets = [8064, 0], sizes = [1152, 1], strides = [1, 1]} : vector<9216x1xbf16> to vector<1152x1xbf16>
    %ge3A_104 = vector.broadcast %slice3A_103 : vector<1152x1xbf16> to vector<1152x512xbf16>
    %ge3A_105 = arith.cmpf oge, %slice3A_102, %ge3A_104 : vector<1152x512xbf16>
    %gt3A_106 = arith.constant 7.000000e+00 : f32
    %gt3A_107 = vector.broadcast %gt3A_106 : f32 to vector<1152x1xf32>
    %gt3A_108 = arith.cmpf ogt, %get3A_18, %gt3A_107 : vector<1152x1xf32>
    %and3A_109 = vector.broadcast %gt3A_108 : vector<1152x1xi1> to vector<1152x512xi1>
    %and3A_110 = arith.andi %ge3A_105, %and3A_109 : vector<1152x512xi1>
    %jit3A_111 = arith.constant 0.000000e+00 : bf16
    %broadcast_in_dim3A_112 = vector.broadcast %jit3A_111 : bf16 to vector<1152x512xbf16>
    %select_n3A_113 = arith.select %and3A_110, %slice3A_102, %broadcast_in_dim3A_112 : vector<1152x512xi1>, vector<1152x512xbf16>
    %max3A_114 = arith.maximumf %max3A_101, %select_n3A_113 : vector<1152x512xbf16>
    %get3A_115 = arith.constant 0 : index
    %get3A_116 = arith.constant 0 : index
    %get3A_117 = vector.load %arg4[%get3A_115, %get3A_116] : memref<1152x1xf32, #tpu.memory_space<vmem>>, vector<1152x1xf32>
    %slice3A_118 = vector.extract_strided_slice %get3A_117 {offsets = [1151, 0], sizes = [1, 1], strides = [1, 1]} : vector<1152x1xf32> to vector<1x1xf32>
    %slice3A_119 = vector.extract_strided_slice %get3A_117 {offsets = [0, 0], sizes = [1151, 1], strides = [1, 1]} : vector<1152x1xf32> to vector<1151x1xf32>
    %concatenate3A = tpu.concatenate %slice3A_118, %slice3A_119 in 0 : vector<1x1xf32>, vector<1151x1xf32> -> vector<1152x1xf32>
    %slice3A_120 = vector.extract_strided_slice %max3A_114 {offsets = [1151, 0], sizes = [1, 512], strides = [1, 1]} : vector<1152x512xbf16> to vector<1x512xbf16>
    %slice3A_121 = vector.extract_strided_slice %max3A_114 {offsets = [0, 0], sizes = [1151, 512], strides = [1, 1]} : vector<1152x512xbf16> to vector<1151x512xbf16>
    %concatenate3A_122 = tpu.concatenate %slice3A_120, %slice3A_121 in 0 : vector<1x512xbf16>, vector<1151x512xbf16> -> vector<1152x512xbf16>
    %eq3A_123 = arith.cmpf oeq, %concatenate3A, %get3A_117 : vector<1152x1xf32>
    %ge3A_124 = arith.constant 0.000000e+00 : f32
    %ge3A_125 = vector.broadcast %ge3A_124 : f32 to vector<1152x1xf32>
    %ge3A_126 = arith.cmpf oge, %get3A_117, %ge3A_125 : vector<1152x1xf32>
    %and3A_127 = arith.andi %eq3A_123, %ge3A_126 : vector<1152x1xi1>
    %convert_element_type3A_128 = arith.extui %and3A_127 : vector<1152x1xi1> to vector<1152x1xi32>
    %convert_element_type3A_129 = arith.sitofp %convert_element_type3A_128 : vector<1152x1xi32> to vector<1152x1xf32>
    %convert_element_type3A_130 = arith.truncf %convert_element_type3A_129 : vector<1152x1xf32> to vector<1152x1xbf16>
    %mul3A_131 = vector.broadcast %convert_element_type3A_130 : vector<1152x1xbf16> to vector<1152x512xbf16>
    %mul3A_132 = arith.mulf %concatenate3A_122, %mul3A_131 : vector<1152x512xbf16>
    %max3A_133 = arith.maximumf %max3A_114, %mul3A_132 : vector<1152x512xbf16>
    %slice3A_134 = vector.extract_strided_slice %get3A_117 {offsets = [1150, 0], sizes = [2, 1], strides = [1, 1]} : vector<1152x1xf32> to vector<2x1xf32>
    %slice3A_135 = vector.extract_strided_slice %get3A_117 {offsets = [0, 0], sizes = [1150, 1], strides = [1, 1]} : vector<1152x1xf32> to vector<1150x1xf32>
    %concatenate3A_136 = tpu.concatenate %slice3A_134, %slice3A_135 in 0 : vector<2x1xf32>, vector<1150x1xf32> -> vector<1152x1xf32>
    %slice3A_137 = vector.extract_strided_slice %max3A_133 {offsets = [1150, 0], sizes = [2, 512], strides = [1, 1]} : vector<1152x512xbf16> to vector<2x512xbf16>
    %slice3A_138 = vector.extract_strided_slice %max3A_133 {offsets = [0, 0], sizes = [1150, 512], strides = [1, 1]} : vector<1152x512xbf16> to vector<1150x512xbf16>
    %concatenate3A_139 = tpu.concatenate %slice3A_137, %slice3A_138 in 0 : vector<2x512xbf16>, vector<1150x512xbf16> -> vector<1152x512xbf16>
    %eq3A_140 = arith.cmpf oeq, %concatenate3A_136, %get3A_117 : vector<1152x1xf32>
    %ge3A_141 = arith.constant 0.000000e+00 : f32
    %ge3A_142 = vector.broadcast %ge3A_141 : f32 to vector<1152x1xf32>
    %ge3A_143 = arith.cmpf oge, %get3A_117, %ge3A_142 : vector<1152x1xf32>
    %and3A_144 = arith.andi %eq3A_140, %ge3A_143 : vector<1152x1xi1>
    %convert_element_type3A_145 = arith.extui %and3A_144 : vector<1152x1xi1> to vector<1152x1xi32>
    %convert_element_type3A_146 = arith.sitofp %convert_element_type3A_145 : vector<1152x1xi32> to vector<1152x1xf32>
    %convert_element_type3A_147 = arith.truncf %convert_element_type3A_146 : vector<1152x1xf32> to vector<1152x1xbf16>
    %mul3A_148 = vector.broadcast %convert_element_type3A_147 : vector<1152x1xbf16> to vector<1152x512xbf16>
    %mul3A_149 = arith.mulf %concatenate3A_139, %mul3A_148 : vector<1152x512xbf16>
    %max3A_150 = arith.maximumf %max3A_133, %mul3A_149 : vector<1152x512xbf16>
    %slice3A_151 = vector.extract_strided_slice %get3A_117 {offsets = [1148, 0], sizes = [4, 1], strides = [1, 1]} : vector<1152x1xf32> to vector<4x1xf32>
    %slice3A_152 = vector.extract_strided_slice %get3A_117 {offsets = [0, 0], sizes = [1148, 1], strides = [1, 1]} : vector<1152x1xf32> to vector<1148x1xf32>
    %concatenate3A_153 = tpu.concatenate %slice3A_151, %slice3A_152 in 0 : vector<4x1xf32>, vector<1148x1xf32> -> vector<1152x1xf32>
    %slice3A_154 = vector.extract_strided_slice %max3A_150 {offsets = [1148, 0], sizes = [4, 512], strides = [1, 1]} : vector<1152x512xbf16> to vector<4x512xbf16>
    %slice3A_155 = vector.extract_strided_slice %max3A_150 {offsets = [0, 0], sizes = [1148, 512], strides = [1, 1]} : vector<1152x512xbf16> to vector<1148x512xbf16>
    %concatenate3A_156 = tpu.concatenate %slice3A_154, %slice3A_155 in 0 : vector<4x512xbf16>, vector<1148x512xbf16> -> vector<1152x512xbf16>
    %eq3A_157 = arith.cmpf oeq, %concatenate3A_153, %get3A_117 : vector<1152x1xf32>
    %ge3A_158 = arith.constant 0.000000e+00 : f32
    %ge3A_159 = vector.broadcast %ge3A_158 : f32 to vector<1152x1xf32>
    %ge3A_160 = arith.cmpf oge, %get3A_117, %ge3A_159 : vector<1152x1xf32>
    %and3A_161 = arith.andi %eq3A_157, %ge3A_160 : vector<1152x1xi1>
    %convert_element_type3A_162 = arith.extui %and3A_161 : vector<1152x1xi1> to vector<1152x1xi32>
    %convert_element_type3A_163 = arith.sitofp %convert_element_type3A_162 : vector<1152x1xi32> to vector<1152x1xf32>
    %convert_element_type3A_164 = arith.truncf %convert_element_type3A_163 : vector<1152x1xf32> to vector<1152x1xbf16>
    %mul3A_165 = vector.broadcast %convert_element_type3A_164 : vector<1152x1xbf16> to vector<1152x512xbf16>
    %mul3A_166 = arith.mulf %concatenate3A_156, %mul3A_165 : vector<1152x512xbf16>
    %max3A_167 = arith.maximumf %max3A_150, %mul3A_166 : vector<1152x512xbf16>
    %slice3A_168 = vector.extract_strided_slice %get3A_117 {offsets = [1144, 0], sizes = [8, 1], strides = [1, 1]} : vector<1152x1xf32> to vector<8x1xf32>
    %slice3A_169 = vector.extract_strided_slice %get3A_117 {offsets = [0, 0], sizes = [1144, 1], strides = [1, 1]} : vector<1152x1xf32> to vector<1144x1xf32>
    %concatenate3A_170 = tpu.concatenate %slice3A_168, %slice3A_169 in 0 : vector<8x1xf32>, vector<1144x1xf32> -> vector<1152x1xf32>
    %slice3A_171 = vector.extract_strided_slice %max3A_167 {offsets = [1144, 0], sizes = [8, 512], strides = [1, 1]} : vector<1152x512xbf16> to vector<8x512xbf16>
    %slice3A_172 = vector.extract_strided_slice %max3A_167 {offsets = [0, 0], sizes = [1144, 512], strides = [1, 1]} : vector<1152x512xbf16> to vector<1144x512xbf16>
    %concatenate3A_173 = tpu.concatenate %slice3A_171, %slice3A_172 in 0 : vector<8x512xbf16>, vector<1144x512xbf16> -> vector<1152x512xbf16>
    %eq3A_174 = arith.cmpf oeq, %concatenate3A_170, %get3A_117 : vector<1152x1xf32>
    %ge3A_175 = arith.constant 0.000000e+00 : f32
    %ge3A_176 = vector.broadcast %ge3A_175 : f32 to vector<1152x1xf32>
    %ge3A_177 = arith.cmpf oge, %get3A_117, %ge3A_176 : vector<1152x1xf32>
    %and3A_178 = arith.andi %eq3A_174, %ge3A_177 : vector<1152x1xi1>
    %convert_element_type3A_179 = arith.extui %and3A_178 : vector<1152x1xi1> to vector<1152x1xi32>
    %convert_element_type3A_180 = arith.sitofp %convert_element_type3A_179 : vector<1152x1xi32> to vector<1152x1xf32>
    %convert_element_type3A_181 = arith.truncf %convert_element_type3A_180 : vector<1152x1xf32> to vector<1152x1xbf16>
    %mul3A_182 = vector.broadcast %convert_element_type3A_181 : vector<1152x1xbf16> to vector<1152x512xbf16>
    %mul3A_183 = arith.mulf %concatenate3A_173, %mul3A_182 : vector<1152x512xbf16>
    %max3A_184 = arith.maximumf %max3A_167, %mul3A_183 : vector<1152x512xbf16>
    %swap3A = arith.constant 0 : index
    %swap3A_185 = arith.constant 0 : index
    %swap3A_186 = vector.load %arg11[%swap3A, %swap3A_185] : memref<1152x512xbf16, #tpu.memory_space<vmem>>, vector<1152x512xbf16>
    tpu.vector_store %arg11[%swap3A, %swap3A_185], %max3A_184 {strides = array<i32>} : memref<1152x512xbf16, #tpu.memory_space<vmem>>, vector<1152x512xbf16>,
    %get3A_187 = arith.constant 0 : index
    %get3A_188 = arith.constant 0 : index
    %get3A_189 = vector.load %arg7[%get3A_187, %get3A_188] : memref<1x1xf32, #tpu.memory_space<vmem>>, vector<1x1xf32>
    %get3A_190 = vector.extract %get3A_189[0, 0] : f32 from vector<1x1xf32>
    %lt3A = arith.constant 1.600000e+01 : f32
    %lt3A_191 = arith.cmpf olt, %lt3A, %get3A_190 : f32
    %convert_element_type3A_192 = arith.extui %lt3A_191 : i1 to i32
    %cond3A_193 = arith.constant 0 : i32
    %cond3A_194 = arith.cmpi ne, %convert_element_type3A_192, %cond3A_193 : i32
    scf.if %cond3A_194 {
      %get3A_243 = arith.constant 0 : index
      %get3A_244 = arith.constant 0 : index
      %get3A_245 = vector.load %arg11[%get3A_243, %get3A_244] : memref<1152x512xbf16, #tpu.memory_space<vmem>>, vector<1152x512xbf16>
      %slice3A_246 = vector.extract_strided_slice %get3A_117 {offsets = [1136, 0], sizes = [16, 1], strides = [1, 1]} : vector<1152x1xf32> to vector<16x1xf32>
      %slice3A_247 = vector.extract_strided_slice %get3A_117 {offsets = [0, 0], sizes = [1136, 1], strides = [1, 1]} : vector<1152x1xf32> to vector<1136x1xf32>
      %concatenate3A_248 = tpu.concatenate %slice3A_246, %slice3A_247 in 0 : vector<16x1xf32>, vector<1136x1xf32> -> vector<1152x1xf32>
      %slice3A_249 = vector.extract_strided_slice %get3A_245 {offsets = [1136, 0], sizes = [16, 512], strides = [1, 1]} : vector<1152x512xbf16> to vector<16x512xbf16>
      %slice3A_250 = vector.extract_strided_slice %get3A_245 {offsets = [0, 0], sizes = [1136, 512], strides = [1, 1]} : vector<1152x512xbf16> to vector<1136x512xbf16>
      %concatenate3A_251 = tpu.concatenate %slice3A_249, %slice3A_250 in 0 : vector<16x512xbf16>, vector<1136x512xbf16> -> vector<1152x512xbf16>
      %eq3A_252 = arith.cmpf oeq, %concatenate3A_248, %get3A_117 : vector<1152x1xf32>
      %ge3A_253 = arith.constant 0.000000e+00 : f32
      %ge3A_254 = vector.broadcast %ge3A_253 : f32 to vector<1152x1xf32>
      %ge3A_255 = arith.cmpf oge, %get3A_117, %ge3A_254 : vector<1152x1xf32>
      %and3A_256 = arith.andi %eq3A_252, %ge3A_255 : vector<1152x1xi1>
      %convert_element_type3A_257 = arith.extui %and3A_256 : vector<1152x1xi1> to vector<1152x1xi32>
      %convert_element_type3A_258 = arith.sitofp %convert_element_type3A_257 : vector<1152x1xi32> to vector<1152x1xf32>
      %convert_element_type3A_259 = arith.truncf %convert_element_type3A_258 : vector<1152x1xf32> to vector<1152x1xbf16>
      %mul3A_260 = vector.broadcast %convert_element_type3A_259 : vector<1152x1xbf16> to vector<1152x512xbf16>
      %mul3A_261 = arith.mulf %concatenate3A_251, %mul3A_260 : vector<1152x512xbf16>
      %max3A_262 = arith.maximumf %get3A_245, %mul3A_261 : vector<1152x512xbf16>
      %swap3A_263 = arith.constant 0 : index
      %swap3A_264 = arith.constant 0 : index
      %swap3A_265 = vector.load %arg11[%swap3A_263, %swap3A_264] : memref<1152x512xbf16, #tpu.memory_space<vmem>>, vector<1152x512xbf16>
      tpu.vector_store %arg11[%swap3A_263, %swap3A_264], %max3A_262 {strides = array<i32>} : memref<1152x512xbf16, #tpu.memory_space<vmem>>, vector<1152x512xbf16>,
    } else {
    }
    %lt3A_195 = arith.constant 3.200000e+01 : f32
    %lt3A_196 = arith.cmpf olt, %lt3A_195, %get3A_190 : f32
    %convert_element_type3A_197 = arith.extui %lt3A_196 : i1 to i32
    %cond3A_198 = arith.constant 0 : i32
    %cond3A_199 = arith.cmpi ne, %convert_element_type3A_197, %cond3A_198 : i32
    scf.if %cond3A_199 {
      %get3A_243 = arith.constant 0 : index
      %get3A_244 = arith.constant 0 : index
      %get3A_245 = vector.load %arg11[%get3A_243, %get3A_244] : memref<1152x512xbf16, #tpu.memory_space<vmem>>, vector<1152x512xbf16>
      %slice3A_246 = vector.extract_strided_slice %get3A_117 {offsets = [1120, 0], sizes = [32, 1], strides = [1, 1]} : vector<1152x1xf32> to vector<32x1xf32>
      %slice3A_247 = vector.extract_strided_slice %get3A_117 {offsets = [0, 0], sizes = [1120, 1], strides = [1, 1]} : vector<1152x1xf32> to vector<1120x1xf32>
      %concatenate3A_248 = tpu.concatenate %slice3A_246, %slice3A_247 in 0 : vector<32x1xf32>, vector<1120x1xf32> -> vector<1152x1xf32>
      %slice3A_249 = vector.extract_strided_slice %get3A_245 {offsets = [1120, 0], sizes = [32, 512], strides = [1, 1]} : vector<1152x512xbf16> to vector<32x512xbf16>
      %slice3A_250 = vector.extract_strided_slice %get3A_245 {offsets = [0, 0], sizes = [1120, 512], strides = [1, 1]} : vector<1152x512xbf16> to vector<1120x512xbf16>
      %concatenate3A_251 = tpu.concatenate %slice3A_249, %slice3A_250 in 0 : vector<32x512xbf16>, vector<1120x512xbf16> -> vector<1152x512xbf16>
      %eq3A_252 = arith.cmpf oeq, %concatenate3A_248, %get3A_117 : vector<1152x1xf32>
      %ge3A_253 = arith.constant 0.000000e+00 : f32
      %ge3A_254 = vector.broadcast %ge3A_253 : f32 to vector<1152x1xf32>
      %ge3A_255 = arith.cmpf oge, %get3A_117, %ge3A_254 : vector<1152x1xf32>
      %and3A_256 = arith.andi %eq3A_252, %ge3A_255 : vector<1152x1xi1>
      %convert_element_type3A_257 = arith.extui %and3A_256 : vector<1152x1xi1> to vector<1152x1xi32>
      %convert_element_type3A_258 = arith.sitofp %convert_element_type3A_257 : vector<1152x1xi32> to vector<1152x1xf32>
      %convert_element_type3A_259 = arith.truncf %convert_element_type3A_258 : vector<1152x1xf32> to vector<1152x1xbf16>
      %mul3A_260 = vector.broadcast %convert_element_type3A_259 : vector<1152x1xbf16> to vector<1152x512xbf16>
      %mul3A_261 = arith.mulf %concatenate3A_251, %mul3A_260 : vector<1152x512xbf16>
      %max3A_262 = arith.maximumf %get3A_245, %mul3A_261 : vector<1152x512xbf16>
      %swap3A_263 = arith.constant 0 : index
      %swap3A_264 = arith.constant 0 : index
      %swap3A_265 = vector.load %arg11[%swap3A_263, %swap3A_264] : memref<1152x512xbf16, #tpu.memory_space<vmem>>, vector<1152x512xbf16>
      tpu.vector_store %arg11[%swap3A_263, %swap3A_264], %max3A_262 {strides = array<i32>} : memref<1152x512xbf16, #tpu.memory_space<vmem>>, vector<1152x512xbf16>,
    } else {
    }
    %lt3A_200 = arith.constant 6.400000e+01 : f32
    %lt3A_201 = arith.cmpf olt, %lt3A_200, %get3A_190 : f32
    %convert_element_type3A_202 = arith.extui %lt3A_201 : i1 to i32
    %cond3A_203 = arith.constant 0 : i32
    %cond3A_204 = arith.cmpi ne, %convert_element_type3A_202, %cond3A_203 : i32
    scf.if %cond3A_204 {
      %get3A_243 = arith.constant 0 : index
      %get3A_244 = arith.constant 0 : index
      %get3A_245 = vector.load %arg11[%get3A_243, %get3A_244] : memref<1152x512xbf16, #tpu.memory_space<vmem>>, vector<1152x512xbf16>
      %slice3A_246 = vector.extract_strided_slice %get3A_117 {offsets = [1088, 0], sizes = [64, 1], strides = [1, 1]} : vector<1152x1xf32> to vector<64x1xf32>
      %slice3A_247 = vector.extract_strided_slice %get3A_117 {offsets = [0, 0], sizes = [1088, 1], strides = [1, 1]} : vector<1152x1xf32> to vector<1088x1xf32>
      %concatenate3A_248 = tpu.concatenate %slice3A_246, %slice3A_247 in 0 : vector<64x1xf32>, vector<1088x1xf32> -> vector<1152x1xf32>
      %slice3A_249 = vector.extract_strided_slice %get3A_245 {offsets = [1088, 0], sizes = [64, 512], strides = [1, 1]} : vector<1152x512xbf16> to vector<64x512xbf16>
      %slice3A_250 = vector.extract_strided_slice %get3A_245 {offsets = [0, 0], sizes = [1088, 512], strides = [1, 1]} : vector<1152x512xbf16> to vector<1088x512xbf16>
      %concatenate3A_251 = tpu.concatenate %slice3A_249, %slice3A_250 in 0 : vector<64x512xbf16>, vector<1088x512xbf16> -> vector<1152x512xbf16>
      %eq3A_252 = arith.cmpf oeq, %concatenate3A_248, %get3A_117 : vector<1152x1xf32>
      %ge3A_253 = arith.constant 0.000000e+00 : f32
      %ge3A_254 = vector.broadcast %ge3A_253 : f32 to vector<1152x1xf32>
      %ge3A_255 = arith.cmpf oge, %get3A_117, %ge3A_254 : vector<1152x1xf32>
      %and3A_256 = arith.andi %eq3A_252, %ge3A_255 : vector<1152x1xi1>
      %convert_element_type3A_257 = arith.extui %and3A_256 : vector<1152x1xi1> to vector<1152x1xi32>
      %convert_element_type3A_258 = arith.sitofp %convert_element_type3A_257 : vector<1152x1xi32> to vector<1152x1xf32>
      %convert_element_type3A_259 = arith.truncf %convert_element_type3A_258 : vector<1152x1xf32> to vector<1152x1xbf16>
      %mul3A_260 = vector.broadcast %convert_element_type3A_259 : vector<1152x1xbf16> to vector<1152x512xbf16>
      %mul3A_261 = arith.mulf %concatenate3A_251, %mul3A_260 : vector<1152x512xbf16>
      %max3A_262 = arith.maximumf %get3A_245, %mul3A_261 : vector<1152x512xbf16>
      %swap3A_263 = arith.constant 0 : index
      %swap3A_264 = arith.constant 0 : index
      %swap3A_265 = vector.load %arg11[%swap3A_263, %swap3A_264] : memref<1152x512xbf16, #tpu.memory_space<vmem>>, vector<1152x512xbf16>
      tpu.vector_store %arg11[%swap3A_263, %swap3A_264], %max3A_262 {strides = array<i32>} : memref<1152x512xbf16, #tpu.memory_space<vmem>>, vector<1152x512xbf16>,
    } else {
    }
    %lt3A_205 = arith.constant 1.280000e+02 : f32
    %lt3A_206 = arith.cmpf olt, %lt3A_205, %get3A_190 : f32
    %convert_element_type3A_207 = arith.extui %lt3A_206 : i1 to i32
    %cond3A_208 = arith.constant 0 : i32
    %cond3A_209 = arith.cmpi ne, %convert_element_type3A_207, %cond3A_208 : i32
    scf.if %cond3A_209 {
      %get3A_243 = arith.constant 0 : index
      %get3A_244 = arith.constant 0 : index
      %get3A_245 = vector.load %arg11[%get3A_243, %get3A_244] : memref<1152x512xbf16, #tpu.memory_space<vmem>>, vector<1152x512xbf16>
      %slice3A_246 = vector.extract_strided_slice %get3A_117 {offsets = [1024, 0], sizes = [128, 1], strides = [1, 1]} : vector<1152x1xf32> to vector<128x1xf32>
      %slice3A_247 = vector.extract_strided_slice %get3A_117 {offsets = [0, 0], sizes = [1024, 1], strides = [1, 1]} : vector<1152x1xf32> to vector<1024x1xf32>
      %concatenate3A_248 = tpu.concatenate %slice3A_246, %slice3A_247 in 0 : vector<128x1xf32>, vector<1024x1xf32> -> vector<1152x1xf32>
      %slice3A_249 = vector.extract_strided_slice %get3A_245 {offsets = [1024, 0], sizes = [128, 512], strides = [1, 1]} : vector<1152x512xbf16> to vector<128x512xbf16>
      %slice3A_250 = vector.extract_strided_slice %get3A_245 {offsets = [0, 0], sizes = [1024, 512], strides = [1, 1]} : vector<1152x512xbf16> to vector<1024x512xbf16>
      %concatenate3A_251 = tpu.concatenate %slice3A_249, %slice3A_250 in 0 : vector<128x512xbf16>, vector<1024x512xbf16> -> vector<1152x512xbf16>
      %eq3A_252 = arith.cmpf oeq, %concatenate3A_248, %get3A_117 : vector<1152x1xf32>
      %ge3A_253 = arith.constant 0.000000e+00 : f32
      %ge3A_254 = vector.broadcast %ge3A_253 : f32 to vector<1152x1xf32>
      %ge3A_255 = arith.cmpf oge, %get3A_117, %ge3A_254 : vector<1152x1xf32>
      %and3A_256 = arith.andi %eq3A_252, %ge3A_255 : vector<1152x1xi1>
      %convert_element_type3A_257 = arith.extui %and3A_256 : vector<1152x1xi1> to vector<1152x1xi32>
      %convert_element_type3A_258 = arith.sitofp %convert_element_type3A_257 : vector<1152x1xi32> to vector<1152x1xf32>
      %convert_element_type3A_259 = arith.truncf %convert_element_type3A_258 : vector<1152x1xf32> to vector<1152x1xbf16>
      %mul3A_260 = vector.broadcast %convert_element_type3A_259 : vector<1152x1xbf16> to vector<1152x512xbf16>
      %mul3A_261 = arith.mulf %concatenate3A_251, %mul3A_260 : vector<1152x512xbf16>
      %max3A_262 = arith.maximumf %get3A_245, %mul3A_261 : vector<1152x512xbf16>
      %swap3A_263 = arith.constant 0 : index
      %swap3A_264 = arith.constant 0 : index
      %swap3A_265 = vector.load %arg11[%swap3A_263, %swap3A_264] : memref<1152x512xbf16, #tpu.memory_space<vmem>>, vector<1152x512xbf16>
      tpu.vector_store %arg11[%swap3A_263, %swap3A_264], %max3A_262 {strides = array<i32>} : memref<1152x512xbf16, #tpu.memory_space<vmem>>, vector<1152x512xbf16>,
    } else {
    }
    %lt3A_210 = arith.constant 2.560000e+02 : f32
    %lt3A_211 = arith.cmpf olt, %lt3A_210, %get3A_190 : f32
    %convert_element_type3A_212 = arith.extui %lt3A_211 : i1 to i32
    %cond3A_213 = arith.constant 0 : i32
    %cond3A_214 = arith.cmpi ne, %convert_element_type3A_212, %cond3A_213 : i32
    scf.if %cond3A_214 {
      %get3A_243 = arith.constant 0 : index
      %get3A_244 = arith.constant 0 : index
      %get3A_245 = vector.load %arg11[%get3A_243, %get3A_244] : memref<1152x512xbf16, #tpu.memory_space<vmem>>, vector<1152x512xbf16>
      %slice3A_246 = vector.extract_strided_slice %get3A_117 {offsets = [896, 0], sizes = [256, 1], strides = [1, 1]} : vector<1152x1xf32> to vector<256x1xf32>
      %slice3A_247 = vector.extract_strided_slice %get3A_117 {offsets = [0, 0], sizes = [896, 1], strides = [1, 1]} : vector<1152x1xf32> to vector<896x1xf32>
      %concatenate3A_248 = tpu.concatenate %slice3A_246, %slice3A_247 in 0 : vector<256x1xf32>, vector<896x1xf32> -> vector<1152x1xf32>
      %slice3A_249 = vector.extract_strided_slice %get3A_245 {offsets = [896, 0], sizes = [256, 512], strides = [1, 1]} : vector<1152x512xbf16> to vector<256x512xbf16>
      %slice3A_250 = vector.extract_strided_slice %get3A_245 {offsets = [0, 0], sizes = [896, 512], strides = [1, 1]} : vector<1152x512xbf16> to vector<896x512xbf16>
      %concatenate3A_251 = tpu.concatenate %slice3A_249, %slice3A_250 in 0 : vector<256x512xbf16>, vector<896x512xbf16> -> vector<1152x512xbf16>
      %eq3A_252 = arith.cmpf oeq, %concatenate3A_248, %get3A_117 : vector<1152x1xf32>
      %ge3A_253 = arith.constant 0.000000e+00 : f32
      %ge3A_254 = vector.broadcast %ge3A_253 : f32 to vector<1152x1xf32>
      %ge3A_255 = arith.cmpf oge, %get3A_117, %ge3A_254 : vector<1152x1xf32>
      %and3A_256 = arith.andi %eq3A_252, %ge3A_255 : vector<1152x1xi1>
      %convert_element_type3A_257 = arith.extui %and3A_256 : vector<1152x1xi1> to vector<1152x1xi32>
      %convert_element_type3A_258 = arith.sitofp %convert_element_type3A_257 : vector<1152x1xi32> to vector<1152x1xf32>
      %convert_element_type3A_259 = arith.truncf %convert_element_type3A_258 : vector<1152x1xf32> to vector<1152x1xbf16>
      %mul3A_260 = vector.broadcast %convert_element_type3A_259 : vector<1152x1xbf16> to vector<1152x512xbf16>
      %mul3A_261 = arith.mulf %concatenate3A_251, %mul3A_260 : vector<1152x512xbf16>
      %max3A_262 = arith.maximumf %get3A_245, %mul3A_261 : vector<1152x512xbf16>
      %swap3A_263 = arith.constant 0 : index
      %swap3A_264 = arith.constant 0 : index
      %swap3A_265 = vector.load %arg11[%swap3A_263, %swap3A_264] : memref<1152x512xbf16, #tpu.memory_space<vmem>>, vector<1152x512xbf16>
      tpu.vector_store %arg11[%swap3A_263, %swap3A_264], %max3A_262 {strides = array<i32>} : memref<1152x512xbf16, #tpu.memory_space<vmem>>, vector<1152x512xbf16>,
    } else {
    }
    %lt3A_215 = arith.constant 5.120000e+02 : f32
    %lt3A_216 = arith.cmpf olt, %lt3A_215, %get3A_190 : f32
    %convert_element_type3A_217 = arith.extui %lt3A_216 : i1 to i32
    %cond3A_218 = arith.constant 0 : i32
    %cond3A_219 = arith.cmpi ne, %convert_element_type3A_217, %cond3A_218 : i32
    scf.if %cond3A_219 {
      %get3A_243 = arith.constant 0 : index
      %get3A_244 = arith.constant 0 : index
      %get3A_245 = vector.load %arg11[%get3A_243, %get3A_244] : memref<1152x512xbf16, #tpu.memory_space<vmem>>, vector<1152x512xbf16>
      %slice3A_246 = vector.extract_strided_slice %get3A_117 {offsets = [640, 0], sizes = [512, 1], strides = [1, 1]} : vector<1152x1xf32> to vector<512x1xf32>
      %slice3A_247 = vector.extract_strided_slice %get3A_117 {offsets = [0, 0], sizes = [640, 1], strides = [1, 1]} : vector<1152x1xf32> to vector<640x1xf32>
      %concatenate3A_248 = tpu.concatenate %slice3A_246, %slice3A_247 in 0 : vector<512x1xf32>, vector<640x1xf32> -> vector<1152x1xf32>
      %slice3A_249 = vector.extract_strided_slice %get3A_245 {offsets = [640, 0], sizes = [512, 512], strides = [1, 1]} : vector<1152x512xbf16> to vector<512x512xbf16>
      %slice3A_250 = vector.extract_strided_slice %get3A_245 {offsets = [0, 0], sizes = [640, 512], strides = [1, 1]} : vector<1152x512xbf16> to vector<640x512xbf16>
      %concatenate3A_251 = tpu.concatenate %slice3A_249, %slice3A_250 in 0 : vector<512x512xbf16>, vector<640x512xbf16> -> vector<1152x512xbf16>
      %eq3A_252 = arith.cmpf oeq, %concatenate3A_248, %get3A_117 : vector<1152x1xf32>
      %ge3A_253 = arith.constant 0.000000e+00 : f32
      %ge3A_254 = vector.broadcast %ge3A_253 : f32 to vector<1152x1xf32>
      %ge3A_255 = arith.cmpf oge, %get3A_117, %ge3A_254 : vector<1152x1xf32>
      %and3A_256 = arith.andi %eq3A_252, %ge3A_255 : vector<1152x1xi1>
      %convert_element_type3A_257 = arith.extui %and3A_256 : vector<1152x1xi1> to vector<1152x1xi32>
      %convert_element_type3A_258 = arith.sitofp %convert_element_type3A_257 : vector<1152x1xi32> to vector<1152x1xf32>
      %convert_element_type3A_259 = arith.truncf %convert_element_type3A_258 : vector<1152x1xf32> to vector<1152x1xbf16>
      %mul3A_260 = vector.broadcast %convert_element_type3A_259 : vector<1152x1xbf16> to vector<1152x512xbf16>
      %mul3A_261 = arith.mulf %concatenate3A_251, %mul3A_260 : vector<1152x512xbf16>
      %max3A_262 = arith.maximumf %get3A_245, %mul3A_261 : vector<1152x512xbf16>
      %swap3A_263 = arith.constant 0 : index
      %swap3A_264 = arith.constant 0 : index
      %swap3A_265 = vector.load %arg11[%swap3A_263, %swap3A_264] : memref<1152x512xbf16, #tpu.memory_space<vmem>>, vector<1152x512xbf16>
      tpu.vector_store %arg11[%swap3A_263, %swap3A_264], %max3A_262 {strides = array<i32>} : memref<1152x512xbf16, #tpu.memory_space<vmem>>, vector<1152x512xbf16>,
    } else {
    }
    %lt3A_220 = arith.constant 1.024000e+03 : f32
    %lt3A_221 = arith.cmpf olt, %lt3A_220, %get3A_190 : f32
    %convert_element_type3A_222 = arith.extui %lt3A_221 : i1 to i32
    %cond3A_223 = arith.constant 0 : i32
    %cond3A_224 = arith.cmpi ne, %convert_element_type3A_222, %cond3A_223 : i32
    scf.if %cond3A_224 {
      %get3A_243 = arith.constant 0 : index
      %get3A_244 = arith.constant 0 : index
      %get3A_245 = vector.load %arg11[%get3A_243, %get3A_244] : memref<1152x512xbf16, #tpu.memory_space<vmem>>, vector<1152x512xbf16>
      %slice3A_246 = vector.extract_strided_slice %get3A_117 {offsets = [128, 0], sizes = [1024, 1], strides = [1, 1]} : vector<1152x1xf32> to vector<1024x1xf32>
      %slice3A_247 = vector.extract_strided_slice %get3A_117 {offsets = [0, 0], sizes = [128, 1], strides = [1, 1]} : vector<1152x1xf32> to vector<128x1xf32>
      %concatenate3A_248 = tpu.concatenate %slice3A_246, %slice3A_247 in 0 : vector<1024x1xf32>, vector<128x1xf32> -> vector<1152x1xf32>
      %slice3A_249 = vector.extract_strided_slice %get3A_245 {offsets = [128, 0], sizes = [1024, 512], strides = [1, 1]} : vector<1152x512xbf16> to vector<1024x512xbf16>
      %slice3A_250 = vector.extract_strided_slice %get3A_245 {offsets = [0, 0], sizes = [128, 512], strides = [1, 1]} : vector<1152x512xbf16> to vector<128x512xbf16>
      %concatenate3A_251 = tpu.concatenate %slice3A_249, %slice3A_250 in 0 : vector<1024x512xbf16>, vector<128x512xbf16> -> vector<1152x512xbf16>
      %eq3A_252 = arith.cmpf oeq, %concatenate3A_248, %get3A_117 : vector<1152x1xf32>
      %ge3A_253 = arith.constant 0.000000e+00 : f32
      %ge3A_254 = vector.broadcast %ge3A_253 : f32 to vector<1152x1xf32>
      %ge3A_255 = arith.cmpf oge, %get3A_117, %ge3A_254 : vector<1152x1xf32>
      %and3A_256 = arith.andi %eq3A_252, %ge3A_255 : vector<1152x1xi1>
      %convert_element_type3A_257 = arith.extui %and3A_256 : vector<1152x1xi1> to vector<1152x1xi32>
      %convert_element_type3A_258 = arith.sitofp %convert_element_type3A_257 : vector<1152x1xi32> to vector<1152x1xf32>
      %convert_element_type3A_259 = arith.truncf %convert_element_type3A_258 : vector<1152x1xf32> to vector<1152x1xbf16>
      %mul3A_260 = vector.broadcast %convert_element_type3A_259 : vector<1152x1xbf16> to vector<1152x512xbf16>
      %mul3A_261 = arith.mulf %concatenate3A_251, %mul3A_260 : vector<1152x512xbf16>
      %max3A_262 = arith.maximumf %get3A_245, %mul3A_261 : vector<1152x512xbf16>
      %swap3A_263 = arith.constant 0 : index
      %swap3A_264 = arith.constant 0 : index
      %swap3A_265 = vector.load %arg11[%swap3A_263, %swap3A_264] : memref<1152x512xbf16, #tpu.memory_space<vmem>>, vector<1152x512xbf16>
      tpu.vector_store %arg11[%swap3A_263, %swap3A_264], %max3A_262 {strides = array<i32>} : memref<1152x512xbf16, #tpu.memory_space<vmem>>, vector<1152x512xbf16>,
    } else {
    }
    %get3A_225 = arith.constant 0 : index
    %get3A_226 = arith.constant 0 : index
    %get3A_227 = vector.load %arg11[%get3A_225, %get3A_226] : memref<1152x512xbf16, #tpu.memory_space<vmem>>, vector<1152x512xbf16>
    %iota3A = tpu.iota {dimensions = array<i32: 0>} : vector<1152x128xi32>
    %convert_element_type3A_228 = arith.sitofp %iota3A : vector<1152x128xi32> to vector<1152x128xf32>
    %get3A_229 = arith.constant 0 : index
    %get3A_230 = arith.constant 0 : index
    %get3A_231 = vector.load %arg5[%get3A_229, %get3A_230] : memref<1x128xf32, #tpu.memory_space<vmem>>, vector<1x128xf32>
    %eq3A_232 = vector.broadcast %get3A_231 : vector<1x128xf32> to vector<1152x128xf32>
    %eq3A_233 = arith.cmpf oeq, %convert_element_type3A_228, %eq3A_232 : vector<1152x128xf32>
    %convert_element_type3A_234 = arith.extui %eq3A_233 : vector<1152x128xi1> to vector<1152x128xi32>
    %convert_element_type3A_235 = arith.sitofp %convert_element_type3A_234 : vector<1152x128xi32> to vector<1152x128xf32>
    %convert_element_type3A_236 = arith.truncf %convert_element_type3A_235 : vector<1152x128xf32> to vector<1152x128xbf16>
    %dot_general3A_237 = arith.constant dense<0.000000e+00> : vector<512x128xf32>
    %dot_general3A_238 = tpu.matmul %get3A_227, %convert_element_type3A_236, %dot_general3A_237 {dimension_numbers = #tpu.dot_dimension_numbers<[0], [0], [1], [1], [0, 1, 1, 1], [], []>, transpose_lhs_hint = false} : vector<1152x512xbf16>, vector<1152x128xbf16>, vector<512x128xf32> -> vector<512x128xf32>
    %slice3A_239 = vector.extract_strided_slice %dot_general3A_238 {offsets = [0, 0], sizes = [512, 100], strides = [1, 1]} : vector<512x128xf32> to vector<512x100xf32>
    %swap3A_240 = arith.constant 0 : index
    %swap3A_241 = arith.constant 0 : index
    %swap3A_242 = vector.load %arg8[%swap3A_240, %swap3A_241] : memref<512x100xf32, #tpu.memory_space<vmem>>, vector<512x100xf32>
    tpu.vector_store %arg8[%swap3A_240, %swap3A_241], %slice3A_239 {strides = array<i32>} : memref<512x100xf32, #tpu.memory_space<vmem>>, vector<512x100xf32>,
    return
  }
  func.func @transform_0(%arg0: i32) -> (i32, i32) {
    %c0_i32 = arith.constant 0 : i32
    %c0_i32_0 = arith.constant 0 : i32
    return %arg0, %c0_i32 : i32, i32
  }
  func.func @transform_1(%arg0: i32) -> (i32, i32) {
    %c0_i32 = arith.constant 0 : i32
    %c0_i32_0 = arith.constant 0 : i32
    %c0_i32_1 = arith.constant 0 : i32
    return %c0_i32, %c0_i32_0 : i32, i32
  }
  func.func @transform_2(%arg0: i32) -> (i32, i32) {
    %c0_i32 = arith.constant 0 : i32
    %c0_i32_0 = arith.constant 0 : i32
    %c0_i32_1 = arith.constant 0 : i32
    return %c0_i32, %c0_i32_0 : i32, i32
  }
  func.func @transform_3(%arg0: i32) -> (i32, i32) {
    %c0_i32 = arith.constant 0 : i32
    %c0_i32_0 = arith.constant 0 : i32
    %c0_i32_1 = arith.constant 0 : i32
    return %c0_i32, %c0_i32_0 : i32, i32
  }
  func.func @transform_4(%arg0: i32) -> (i32, i32) {
    %c0_i32 = arith.constant 0 : i32
    %c0_i32_0 = arith.constant 0 : i32
    %c0_i32_1 = arith.constant 0 : i32
    return %c0_i32, %c0_i32_0 : i32, i32
  }
  func.func @transform_5(%arg0: i32) -> (i32, i32) {
    %c0_i32 = arith.constant 0 : i32
    %c0_i32_0 = arith.constant 0 : i32
    %c0_i32_1 = arith.constant 0 : i32
    return %c0_i32, %c0_i32_0 : i32, i32
  }
  func.func @transform_6(%arg0: i32) -> (i32, i32) {
    %c0_i32 = arith.constant 0 : i32
    %c0_i32_0 = arith.constant 0 : i32
    %c0_i32_1 = arith.constant 0 : i32
    return %c0_i32, %c0_i32_0 : i32, i32
  }
  func.func @transform_7(%arg0: i32) -> (i32, i32) {
    %c0_i32 = arith.constant 0 : i32
    %c0_i32_0 = arith.constant 0 : i32
    return %arg0, %c0_i32 : i32, i32
  }
}

module attributes {stable_mosaic.version = 14 : i64} {
  func.func @_prep_kernel(%arg0: i32, %arg1: memref<64x128xi32, #tpu.memory_space<vmem>>, %arg2: memref<8192x1xf32, #tpu.memory_space<vmem>>, %arg3: memref<64x128xi32, #tpu.memory_space<vmem>>, %arg4: memref<1152x1xf32, #tpu.memory_space<vmem>>, %arg5: memref<1x128xf32, #tpu.memory_space<vmem>>, %arg6: memref<1152x1xf32, #tpu.memory_space<vmem>>, %arg7: memref<8192x128xf32, #tpu.memory_space<vmem>>, %arg8: memref<1x1xf32, #tpu.memory_space<vmem>>) attributes {dimension_semantics = [#tpu.dimension_semantics<arbitrary>], iteration_bounds = array<i64: 1>, scalar_prefetch = 0 : i64, scratch_operands = 0 : i64, tpu.core_type = #tpu.core_type<tc>, window_params = [{pipeline_mode = #tpu.pipeline_mode<synchronous>, transform_indices = @transform_0, window_bounds = array<i64: 64, 128>}, {pipeline_mode = #tpu.pipeline_mode<synchronous>, transform_indices = @transform_1, window_bounds = array<i64: 8192, 1>}, {pipeline_mode = #tpu.pipeline_mode<synchronous>, transform_indices = @transform_2, window_bounds = array<i64: 64, 128>}, {pipeline_mode = #tpu.pipeline_mode<synchronous>, transform_indices = @transform_3, window_bounds = array<i64: 1152, 1>}, {pipeline_mode = #tpu.pipeline_mode<synchronous>, transform_indices = @transform_4, window_bounds = array<i64: 1, 128>}, {pipeline_mode = #tpu.pipeline_mode<synchronous>, transform_indices = @transform_5, window_bounds = array<i64: 1152, 1>}, {pipeline_mode = #tpu.pipeline_mode<synchronous>, transform_indices = @transform_6, window_bounds = array<i64: 8192, 128>}, {pipeline_mode = #tpu.pipeline_mode<synchronous>, transform_indices = @transform_7, window_bounds = array<i64: 1, 1>}]} {
    %get3A = arith.constant 0 : index
    %get3A_0 = arith.constant 0 : index
    %get3A_1 = vector.load %arg1[%get3A, %get3A_0] : memref<64x128xi32, #tpu.memory_space<vmem>>, vector<64x128xi32>
    %convert_element_type3A = arith.sitofp %get3A_1 : vector<64x128xi32> to vector<64x128xf32>
    %iota3A = tpu.iota {dimensions = array<i32: 1>} : vector<64x128x128xi32>
    %convert_element_type3A_2 = arith.sitofp %iota3A : vector<64x128x128xi32> to vector<64x128x128xf32>
    %broadcast_in_dim3A = vector.shape_cast %convert_element_type3A : vector<64x128xf32> to vector<64x1x128xf32>
    %eq3A = vector.broadcast %broadcast_in_dim3A : vector<64x1x128xf32> to vector<64x128x128xf32>
    %eq3A_3 = arith.cmpf oeq, %eq3A, %convert_element_type3A_2 : vector<64x128x128xf32>
    %convert_element_type3A_4 = arith.extui %eq3A_3 : vector<64x128x128xi1> to vector<64x128x128xi32>
    %convert_element_type3A_5 = arith.sitofp %convert_element_type3A_4 : vector<64x128x128xi32> to vector<64x128x128xf32>
    %reduce_sum3A = arith.constant dense<0.000000e+00> : vector<64x128xf32>
    %reduce_sum3A_6 = vector.multi_reduction <add>, %convert_element_type3A_5, %reduce_sum3A [2] : vector<64x128x128xf32> to vector<64x128xf32>
    %iota3A_7 = tpu.iota {dimensions = array<i32: 0>} : vector<64x64xi32>
    %convert_element_type3A_8 = arith.sitofp %iota3A_7 : vector<64x64xi32> to vector<64x64xf32>
    %iota3A_9 = tpu.iota {dimensions = array<i32: 1>} : vector<64x64xi32>
    %convert_element_type3A_10 = arith.sitofp %iota3A_9 : vector<64x64xi32> to vector<64x64xf32>
    %lt3A = arith.cmpf olt, %convert_element_type3A_10, %convert_element_type3A_8 : vector<64x64xf32>
    %convert_element_type3A_11 = arith.extui %lt3A : vector<64x64xi1> to vector<64x64xi32>
    %convert_element_type3A_12 = arith.sitofp %convert_element_type3A_11 : vector<64x64xi32> to vector<64x64xf32>
    %dot_general3A = arith.constant dense<0.000000e+00> : vector<64x128xf32>
    %dot_general3A_13 = tpu.matmul %convert_element_type3A_12, %reduce_sum3A_6, %dot_general3A {dimension_numbers = #tpu.dot_dimension_numbers<[1], [0], [0], [1], [0, 0, 1, 1], [], []>, transpose_lhs_hint = false} : vector<64x64xf32>, vector<64x128xf32>, vector<64x128xf32> -> vector<64x128xf32>
    %iota3A_14 = tpu.iota {dimensions = array<i32: 0>} : vector<128x128xi32>
    %convert_element_type3A_15 = arith.sitofp %iota3A_14 : vector<128x128xi32> to vector<128x128xf32>
    %iota3A_16 = tpu.iota {dimensions = array<i32: 1>} : vector<128x128xi32>
    %convert_element_type3A_17 = arith.sitofp %iota3A_16 : vector<128x128xi32> to vector<128x128xf32>
    %lt3A_18 = arith.cmpf olt, %convert_element_type3A_15, %convert_element_type3A_17 : vector<128x128xf32>
    %convert_element_type3A_19 = arith.extui %lt3A_18 : vector<128x128xi1> to vector<128x128xi32>
    %convert_element_type3A_20 = arith.sitofp %convert_element_type3A_19 : vector<128x128xi32> to vector<128x128xf32>
    %reshape3A = vector.shape_cast %convert_element_type3A_5 : vector<64x128x128xf32> to vector<8192x128xf32>
    %dot_general3A_21 = arith.constant dense<0.000000e+00> : vector<8192x128xf32>
    %dot_general3A_22 = tpu.matmul %reshape3A, %convert_element_type3A_20, %dot_general3A_21 {dimension_numbers = #tpu.dot_dimension_numbers<[1], [0], [0], [1], [0, 0, 1, 1], [], []>, transpose_lhs_hint = false} : vector<8192x128xf32>, vector<128x128xf32>, vector<8192x128xf32> -> vector<8192x128xf32>
    %reshape3A_23 = vector.shape_cast %dot_general3A_22 : vector<8192x128xf32> to vector<64x128x128xf32>
    %broadcast_in_dim3A_24 = vector.shape_cast %dot_general3A_13 : vector<64x128xf32> to vector<64x128x1xf32>
    %add3A = vector.broadcast %broadcast_in_dim3A_24 : vector<64x128x1xf32> to vector<64x128x128xf32>
    %add3A_25 = arith.addf %add3A, %reshape3A_23 : vector<64x128x128xf32>
    %mul3A = arith.mulf %convert_element_type3A_5, %add3A_25 : vector<64x128x128xf32>
    %reduce_sum3A_26 = arith.constant dense<0.000000e+00> : vector<64x128xf32>
    %reduce_sum3A_27 = vector.multi_reduction <add>, %mul3A, %reduce_sum3A_26 [1] : vector<64x128x128xf32> to vector<64x128xf32>
    %reduce_sum3A_28 = arith.constant dense<0.000000e+00> : vector<128xf32>
    %reduce_sum3A_29 = vector.multi_reduction <add>, %reduce_sum3A_6, %reduce_sum3A_28 [0] : vector<64x128xf32> to vector<128xf32>
    %broadcast_in_dim3A_30 = vector.shape_cast %reduce_sum3A_29 : vector<128xf32> to vector<1x128xf32>
    %add3A_31 = arith.constant 7.000000e+00 : f32
    %add3A_32 = vector.broadcast %add3A_31 : f32 to vector<1x128xf32>
    %add3A_33 = arith.addf %broadcast_in_dim3A_30, %add3A_32 : vector<1x128xf32>
    %mul3A_34 = arith.constant 1.250000e-01 : f32
    %mul3A_35 = vector.broadcast %mul3A_34 : f32 to vector<1x128xf32>
    %mul3A_36 = arith.mulf %add3A_33, %mul3A_35 : vector<1x128xf32>
    %floor3A = math.floor %mul3A_36 : vector<1x128xf32>
    %iota3A_37 = tpu.iota {dimensions = array<i32: 0>} : vector<128x128xi32>
    %convert_element_type3A_38 = arith.sitofp %iota3A_37 : vector<128x128xi32> to vector<128x128xf32>
    %iota3A_39 = tpu.iota {dimensions = array<i32: 1>} : vector<128x128xi32>
    %convert_element_type3A_40 = arith.sitofp %iota3A_39 : vector<128x128xi32> to vector<128x128xf32>
    %lt3A_41 = arith.cmpf olt, %convert_element_type3A_40, %convert_element_type3A_38 : vector<128x128xf32>
    %convert_element_type3A_42 = arith.extui %lt3A_41 : vector<128x128xi1> to vector<128x128xi32>
    %convert_element_type3A_43 = arith.sitofp %convert_element_type3A_42 : vector<128x128xi32> to vector<128x128xf32>
    %dot_general3A_44 = arith.constant dense<0.000000e+00> : vector<1x128xf32>
    %dot_general3A_45 = tpu.matmul %floor3A, %convert_element_type3A_43, %dot_general3A_44 {dimension_numbers = #tpu.dot_dimension_numbers<[1], [1], [0], [0], [0, 0, 1, 0], [], []>, transpose_lhs_hint = false} : vector<1x128xf32>, vector<128x128xf32>, vector<1x128xf32> -> vector<1x128xf32>
    %broadcast_in_dim3A_46 = vector.shape_cast %dot_general3A_45 : vector<1x128xf32> to vector<1x128x1xf32>
    %mul3A_47 = vector.broadcast %broadcast_in_dim3A_46 : vector<1x128x1xf32> to vector<64x128x128xf32>
    %mul3A_48 = arith.mulf %convert_element_type3A_5, %mul3A_47 : vector<64x128x128xf32>
    %reduce_sum3A_49 = arith.constant dense<0.000000e+00> : vector<64x128xf32>
    %reduce_sum3A_50 = vector.multi_reduction <add>, %mul3A_48, %reduce_sum3A_49 [1] : vector<64x128x128xf32> to vector<64x128xf32>
    %mul3A_51 = arith.constant 1.250000e-01 : f32
    %mul3A_52 = vector.broadcast %mul3A_51 : f32 to vector<64x128xf32>
    %mul3A_53 = arith.mulf %reduce_sum3A_27, %mul3A_52 : vector<64x128xf32>
    %floor3A_54 = math.floor %mul3A_53 : vector<64x128xf32>
    %mul3A_55 = arith.constant 8.000000e+00 : f32
    %mul3A_56 = vector.broadcast %mul3A_55 : f32 to vector<64x128xf32>
    %mul3A_57 = arith.mulf %mul3A_56, %floor3A_54 : vector<64x128xf32>
    %sub3A = arith.subf %reduce_sum3A_27, %mul3A_57 : vector<64x128xf32>
    %mul3A_58 = arith.constant 1.152000e+03 : f32
    %mul3A_59 = vector.broadcast %mul3A_58 : f32 to vector<64x128xf32>
    %mul3A_60 = arith.mulf %sub3A, %mul3A_59 : vector<64x128xf32>
    %add3A_61 = arith.addf %mul3A_60, %reduce_sum3A_50 : vector<64x128xf32>
    %add3A_62 = arith.addf %add3A_61, %floor3A_54 : vector<64x128xf32>
    %convert_element_type3A_63 = arith.fptosi %add3A_62 : vector<64x128xf32> to vector<64x128xi32>
    %swap3A = arith.constant 0 : index
    %swap3A_64 = arith.constant 0 : index
    %swap3A_65 = vector.load %arg3[%swap3A, %swap3A_64] : memref<64x128xi32, #tpu.memory_space<vmem>>, vector<64x128xi32>
    tpu.vector_store %arg3[%swap3A, %swap3A_64], %convert_element_type3A_63 {strides = array<i32>} : memref<64x128xi32, #tpu.memory_space<vmem>>, vector<64x128xi32>,
    %iota3A_66 = tpu.iota {dimensions = array<i32: 0>} : vector<1152x128xi32>
    %convert_element_type3A_67 = arith.sitofp %iota3A_66 : vector<1152x128xi32> to vector<1152x128xf32>
    %ge3A = vector.broadcast %dot_general3A_45 : vector<1x128xf32> to vector<1152x128xf32>
    %ge3A_68 = arith.cmpf oge, %convert_element_type3A_67, %ge3A : vector<1152x128xf32>
    %add3A_69 = arith.addf %dot_general3A_45, %floor3A : vector<1x128xf32>
    %lt3A_70 = vector.broadcast %add3A_69 : vector<1x128xf32> to vector<1152x128xf32>
    %lt3A_71 = arith.cmpf olt, %convert_element_type3A_67, %lt3A_70 : vector<1152x128xf32>
    %and3A = arith.andi %ge3A_68, %lt3A_71 : vector<1152x128xi1>
    %convert_element_type3A_72 = arith.extui %and3A : vector<1152x128xi1> to vector<1152x128xi32>
    %convert_element_type3A_73 = arith.sitofp %convert_element_type3A_72 : vector<1152x128xi32> to vector<1152x128xf32>
    %iota3A_74 = tpu.iota {dimensions = array<i32: 1>} : vector<1152x128xi32>
    %convert_element_type3A_75 = arith.sitofp %iota3A_74 : vector<1152x128xi32> to vector<1152x128xf32>
    %reduce_sum3A_76 = arith.constant dense<0.000000e+00> : vector<1152xf32>
    %reduce_sum3A_77 = vector.multi_reduction <add>, %convert_element_type3A_73, %reduce_sum3A_76 [1] : vector<1152x128xf32> to vector<1152xf32>
    %broadcast_in_dim3A_78 = vector.shape_cast %reduce_sum3A_77 : vector<1152xf32> to vector<1152x1xf32>
    %mul3A_79 = arith.mulf %convert_element_type3A_73, %convert_element_type3A_75 : vector<1152x128xf32>
    %reduce_sum3A_80 = arith.constant dense<0.000000e+00> : vector<1152xf32>
    %reduce_sum3A_81 = vector.multi_reduction <add>, %mul3A_79, %reduce_sum3A_80 [1] : vector<1152x128xf32> to vector<1152xf32>
    %broadcast_in_dim3A_82 = vector.shape_cast %reduce_sum3A_81 : vector<1152xf32> to vector<1152x1xf32>
    %sub3A_83 = arith.constant 1.000000e+00 : f32
    %sub3A_84 = vector.broadcast %sub3A_83 : f32 to vector<1152x1xf32>
    %sub3A_85 = arith.subf %sub3A_84, %broadcast_in_dim3A_78 : vector<1152x1xf32>
    %sub3A_86 = arith.subf %broadcast_in_dim3A_82, %sub3A_85 : vector<1152x1xf32>
    %swap3A_87 = arith.constant 0 : index
    %swap3A_88 = arith.constant 0 : index
    %swap3A_89 = vector.load %arg4[%swap3A_87, %swap3A_88] : memref<1152x1xf32, #tpu.memory_space<vmem>>, vector<1152x1xf32>
    tpu.vector_store %arg4[%swap3A_87, %swap3A_88], %sub3A_86 {strides = array<i32>} : memref<1152x1xf32, #tpu.memory_space<vmem>>, vector<1152x1xf32>,
    %sub3A_90 = vector.broadcast %dot_general3A_45 : vector<1x128xf32> to vector<1152x128xf32>
    %sub3A_91 = arith.subf %convert_element_type3A_67, %sub3A_90 : vector<1152x128xf32>
    %mul3A_92 = arith.constant 8.000000e+00 : f32
    %mul3A_93 = vector.broadcast %mul3A_92 : f32 to vector<1152x128xf32>
    %mul3A_94 = arith.mulf %sub3A_91, %mul3A_93 : vector<1152x128xf32>
    %sub3A_95 = vector.broadcast %broadcast_in_dim3A_30 : vector<1x128xf32> to vector<1152x128xf32>
    %sub3A_96 = arith.subf %sub3A_95, %mul3A_94 : vector<1152x128xf32>
    %jit3A = arith.constant 0.000000e+00 : f32
    %jit3A_97 = arith.constant 8 : i32
    %max3A = vector.broadcast %jit3A : f32 to vector<1152x128xf32>
    %max3A_98 = arith.maximumf %max3A, %sub3A_96 : vector<1152x128xf32>
    %convert_element_type3A_99 = arith.sitofp %jit3A_97 : i32 to f32
    %min3A = vector.broadcast %convert_element_type3A_99 : f32 to vector<1152x128xf32>
    %min3A_100 = arith.minimumf %min3A, %max3A_98 : vector<1152x128xf32>
    %mul3A_101 = arith.mulf %min3A_100, %convert_element_type3A_73 : vector<1152x128xf32>
    %reduce_sum3A_102 = arith.constant dense<0.000000e+00> : vector<1152xf32>
    %reduce_sum3A_103 = vector.multi_reduction <add>, %mul3A_101, %reduce_sum3A_102 [1] : vector<1152x128xf32> to vector<1152xf32>
    %broadcast_in_dim3A_104 = vector.shape_cast %reduce_sum3A_103 : vector<1152xf32> to vector<1152x1xf32>
    %swap3A_105 = arith.constant 0 : index
    %swap3A_106 = arith.constant 0 : index
    %swap3A_107 = vector.load %arg6[%swap3A_105, %swap3A_106] : memref<1152x1xf32, #tpu.memory_space<vmem>>, vector<1152x1xf32>
    tpu.vector_store %arg6[%swap3A_105, %swap3A_106], %broadcast_in_dim3A_104 {strides = array<i32>} : memref<1152x1xf32, #tpu.memory_space<vmem>>, vector<1152x1xf32>,
    %gt3A = arith.constant 0.000000e+00 : f32
    %gt3A_108 = vector.broadcast %gt3A : f32 to vector<1x128xf32>
    %gt3A_109 = arith.cmpf ogt, %floor3A, %gt3A_108 : vector<1x128xf32>
    %add3A_110 = arith.addf %dot_general3A_45, %floor3A : vector<1x128xf32>
    %sub3A_111 = arith.constant 1.000000e+00 : f32
    %sub3A_112 = vector.broadcast %sub3A_111 : f32 to vector<1x128xf32>
    %sub3A_113 = arith.subf %add3A_110, %sub3A_112 : vector<1x128xf32>
    %jit3A_114 = arith.constant -1.000000e+00 : f32
    %broadcast_in_dim3A_115 = vector.broadcast %jit3A_114 : f32 to vector<1x128xf32>
    %select_n3A = arith.select %gt3A_109, %sub3A_113, %broadcast_in_dim3A_115 : vector<1x128xi1>, vector<1x128xf32>
    %swap3A_116 = arith.constant 0 : index
    %swap3A_117 = arith.constant 0 : index
    %swap3A_118 = vector.load %arg5[%swap3A_116, %swap3A_117] : memref<1x128xf32, #tpu.memory_space<vmem>>, vector<1x128xf32>
    tpu.vector_store %arg5[%swap3A_116, %swap3A_117], %select_n3A {strides = array<i32>} : memref<1x128xf32, #tpu.memory_space<vmem>>, vector<1x128xf32>,
    %reduce_max3A = arith.constant dense<0xFF800000> : vector<1xf32>
    %reduce_max3A_119 = vector.multi_reduction <maximumf>, %floor3A, %reduce_max3A [1] : vector<1x128xf32> to vector<1xf32>
    %broadcast_in_dim3A_120 = vector.shape_cast %reduce_max3A_119 : vector<1xf32> to vector<1x1xf32>
    %swap3A_121 = arith.constant 0 : index
    %swap3A_122 = arith.constant 0 : index
    %swap3A_123 = vector.load %arg8[%swap3A_121, %swap3A_122] : memref<1x1xf32, #tpu.memory_space<vmem>>, vector<1x1xf32>
    tpu.vector_store %arg8[%swap3A_121, %swap3A_122], %broadcast_in_dim3A_120 {strides = array<i32>} : memref<1x1xf32, #tpu.memory_space<vmem>>, vector<1x1xf32>,
    %get3A_124 = arith.constant 0 : index
    %get3A_125 = arith.constant 0 : index
    %get3A_126 = vector.load %arg2[%get3A_124, %get3A_125] : memref<8192x1xf32, #tpu.memory_space<vmem>>, vector<8192x1xf32>
    %broadcast_in_dim3A_127 = vector.shape_cast %get3A_126 : vector<8192x1xf32> to vector<8192x1xf32>
    %broadcast_in_dim3A_128 = vector.broadcast %broadcast_in_dim3A_127 : vector<8192x1xf32> to vector<8192x128xf32>
    %swap3A_129 = arith.constant 0 : index
    %swap3A_130 = arith.constant 0 : index
    %swap3A_131 = vector.load %arg7[%swap3A_129, %swap3A_130] : memref<8192x128xf32, #tpu.memory_space<vmem>>, vector<8192x128xf32>
    tpu.vector_store %arg7[%swap3A_129, %swap3A_130], %broadcast_in_dim3A_128 {strides = array<i32>} : memref<8192x128xf32, #tpu.memory_space<vmem>>, vector<8192x128xf32>,
    return
  }
  func.func @transform_0(%arg0: i32) -> (i32, i32) {
    %c0_i32 = arith.constant 0 : i32
    %c0_i32_0 = arith.constant 0 : i32
    %c0_i32_1 = arith.constant 0 : i32
    return %c0_i32, %c0_i32_0 : i32, i32
  }
  func.func @transform_1(%arg0: i32) -> (i32, i32) {
    %c0_i32 = arith.constant 0 : i32
    %c0_i32_0 = arith.constant 0 : i32
    %c0_i32_1 = arith.constant 0 : i32
    return %c0_i32, %c0_i32_0 : i32, i32
  }
  func.func @transform_2(%arg0: i32) -> (i32, i32) {
    %c0_i32 = arith.constant 0 : i32
    %c0_i32_0 = arith.constant 0 : i32
    %c0_i32_1 = arith.constant 0 : i32
    return %c0_i32, %c0_i32_0 : i32, i32
  }
  func.func @transform_3(%arg0: i32) -> (i32, i32) {
    %c0_i32 = arith.constant 0 : i32
    %c0_i32_0 = arith.constant 0 : i32
    %c0_i32_1 = arith.constant 0 : i32
    return %c0_i32, %c0_i32_0 : i32, i32
  }
  func.func @transform_4(%arg0: i32) -> (i32, i32) {
    %c0_i32 = arith.constant 0 : i32
    %c0_i32_0 = arith.constant 0 : i32
    %c0_i32_1 = arith.constant 0 : i32
    return %c0_i32, %c0_i32_0 : i32, i32
  }
  func.func @transform_5(%arg0: i32) -> (i32, i32) {
    %c0_i32 = arith.constant 0 : i32
    %c0_i32_0 = arith.constant 0 : i32
    %c0_i32_1 = arith.constant 0 : i32
    return %c0_i32, %c0_i32_0 : i32, i32
  }
  func.func @transform_6(%arg0: i32) -> (i32, i32) {
    %c0_i32 = arith.constant 0 : i32
    %c0_i32_0 = arith.constant 0 : i32
    %c0_i32_1 = arith.constant 0 : i32
    return %c0_i32, %c0_i32_0 : i32, i32
  }
  func.func @transform_7(%arg0: i32) -> (i32, i32) {
    %c0_i32 = arith.constant 0 : i32
    %c0_i32_0 = arith.constant 0 : i32
    %c0_i32_1 = arith.constant 0 : i32
    return %c0_i32, %c0_i32_0 : i32, i32
  }
}

</mosaic_0001>

<sc_bundles>
// kernel: _run.5.cloned.1.call-start
scs
__scs_entry_jumppad:
0x0: {  	(pc) =	sbr.rel $0x88, $3  }
0x1: {  	(tag) =	ssettag $0x0;
	lr =	simm.s32 $0x1  }
0x2: {  	[smem:$0x3F9D] =	sst lr;
	_ =	strace $0xD0000000  }
0x3: {  	_ = 	snop  }
0x4: {  	_ = 	snop  }
0x5: {  	_ = 	snop  }
0x6: {  	_ = 	snop  }
0x7: {  	_ = 	snop  }
__scs_overlays_trampoline_lowered:
0x8: {  	[smem:$0x3FAC] =	sst s0  }
0x9: {  	[smem:$0x3FAD] =	sst s1  }
0xa: {  	[smem:$0x3FAE] =	sst s2  }
0xb: {  	[smem:$0x3FAF] =	sst s3  }
0xc: {  	[smem:$0x3FB0] =	sst s4  }
0xd: {  	[smem:$0x3FB1] =	sst s5  }
0xe: {  	[smem:$0x3FB2] =	sst s6  }
0xf: {  	[smem:$0x3FB3] =	sst s7  }
0x10: {  	[smem:$0x3FB4] =	sst s8  }
0x11: {  	[smem:$0x3FB5] =	sst s9;
	s0 =	simm.s32 @!p0 $0x0  }
0x12: {  	s1 =	sld [smem:$0x3F9B];
	s0 =	simm.s32 @p0 $0x1  }
0x13: {  	[smem:$0x3FB6] =	sst s0;
	s0 =	simm.s32 @!p1 $0x0  }
0x14: {  	s2 =	sld [smem:$0x3F9A];
	s0 =	simm.s32 @p1 $0x1  }
0x15: {  	[smem:$0x3FB7] =	sst s0;
	s0 =	simm.s32 @!p2 $0x0  }
0x16: {  	s3 =	sld [smem:$0x3FDB];
	s0 =	simm.s32 @p2 $0x1  }
0x17: {  	s4 =	simm.s32 $0x1BF5;
	[smem:$0x3FB9] =	sst s0  }
0x18: {  	s0 =	sld [smem:$0x3F9C];
	_ =	swait.ge [sflag:s4], $0x0  }
0x19: {  	s7 =	sld [smem:$0x3F9D]  }
0x1a: {  	s8 =	sadd.s32 $0xFFFFE003, lr  }
0x1b: {  	s9 =	sadd.s32 $0xFFFFFEF7, lr;
	s5 =	simm.s32 $0xFFFFFFFF;
	p2 =	slt.u32 s8, $0xFFFFF086  }
0x1c: {  	p1 =	slt.u32 s9, $0xF7A;
	s5 =	simm.s32 @!p2 $0x0  }
0x1d: {  	s5 =	simm.s32 @p1 $0x1;
	p0 =	seq.s32 s7, s2  }
0x1e: {  	s7 =	smul.u32 @!p0 $0xF7A, s2;
	p2 =	seq.s32 @!p0 s5, $0x0  }
0x1f: {  	s9 =	smul.u32 $0xF7A, s1;
	s8 =	simm.s32 @!p0 $0x1BF5;
	p2 =	por !p2, p0  }
0x20: {  	[sflag:s8] =	ssyncset.s32 @!p0 $0xFFFFF086;
	s6 =	sadd.s32 @!p0 s3, s7;
	s7 =	simm.s32 @!p0 $0x108  }
0x21: {  	s3 =	sadd.s32 s3, s9;
	s6 =	sadd.s32 @!p0 $0x88, s6;
	s7 =	simm.s32 @p2 $0x1082  }
0x22: {  	[simem:s7], [sflag:s8] =	dma.local @!p0 [hbm:s6], $0xF7A  }
0x23: {  	s9 =	sor.u32 $0xD0000000, s2;
	s6 =	simm.s32 $0x108;
	_ =	swait.ge @!p0 [sflag:s8], $0x0  }
0x24: {  	s3 =	sadd.s32 $0x88, s3;
	s6 =	simm.s32 @!p1 $0x1082;
	[sflag:s4] =	ssyncset.s32 $0xFFFFF086  }
0x25: {  	[simem:s6], [sflag:s4] =	dma.local [hbm:s3], $0xF7A  }
0x26: {  	[smem:$0x3F9D] =	sst s1;
	(tag) =	ssettag s2;
	_ =	strace s9  }
0x27: {  	s1 =	sld [smem:$0x3FAD]  }
0x28: {  	s2 =	sld [smem:$0x3FAE]  }
0x29: {  	s4 =	sld [smem:$0x3FB0]  }
0x2a: {  	p0 =	seq.s32 s5, $0x0;
	s5 =	sld [smem:$0x3FB1]  }
0x2b: {  	s6 =	sld [smem:$0x3FB2]  }
0x2c: {  	s7 =	sld [smem:$0x3FB3]  }
0x2d: {  	s3 =	simm.s32 $0x108;
	s8 =	sld [smem:$0x3FB4]  }
0x2e: {  	s3 =	simm.s32 @!p0 $0x1082;
	s9 =	sld [smem:$0x3FB5]  }
0x2f: {  	lr =	sadd.s32 s0, s3;
	s0 =	sld [smem:$0x3FAC]  }
0x30: {  	s3 =	sld [smem:$0x3FAF]  }
0x31: {  	[smem:$0x3FB8] =	sst s10  }
0x32: {  	s10 =	sld [smem:$0x3FB6];
	_ =	sdelay $0x3  }
0x33: {  	p0 =	seq.s32 s10, $0x1;
	s10 =	sld [smem:$0x3FB8];
	_ =	sdelay $0x3  }
0x34: {  	[smem:$0x3FB8] =	sst s10  }
0x35: {  	s10 =	sld [smem:$0x3FB7];
	_ =	sdelay $0x3  }
0x36: {  	p1 =	seq.s32 s10, $0x1;
	s10 =	sld [smem:$0x3FB8];
	_ =	sdelay $0x3  }
0x37: {  	[smem:$0x3FB8] =	sst s10  }
0x38: {  	s10 =	sld [smem:$0x3FB9]  }
0x39: {  	_ = 	snop;
	(pc) =	sbr.ind lr, $3  }
0x3a: {  	_ = 	snop  }
0x3b: {  	_ = 	snop  }
0x3c: {  	p2 =	seq.s32 s10, $0x1;
	s10 =	sld [smem:$0x3FB8]  }
0x3d: {  	_ =	shalt  }
0x3e: {  	_ =	shalt  }
0x3f: {  	_ =	shalt  }
0x40: {  	_ =	shalt  }
0x41: {  	_ =	shalt  }
0x42: {  	_ =	shalt  }
0x43: {  	_ =	shalt  }
0x44: {  	_ =	shalt  }
0x45: {  	_ =	shalt  }
0x46: {  	_ =	shalt  }
0x47: {  	_ =	shalt  }
0x48: {  	_ =	shalt  }
0x49: {  	_ =	shalt  }
0x4a: {  	_ =	shalt  }
0x4b: {  	_ =	shalt  }
0x4c: {  	_ =	shalt  }
0x4d: {  	_ =	shalt  }
0x4e: {  	_ =	shalt  }
0x4f: {  	_ =	shalt  }
0x50: {  	_ =	shalt  }
0x51: {  	_ =	shalt  }
0x52: {  	_ =	shalt  }
0x53: {  	_ =	shalt  }
0x54: {  	_ =	shalt  }
0x55: {  	_ =	shalt  }
0x56: {  	_ =	shalt  }
0x57: {  	_ =	shalt  }
0x58: {  	_ =	shalt  }
0x59: {  	_ =	shalt  }
0x5a: {  	_ =	shalt  }
0x5b: {  	_ =	shalt  }
0x5c: {  	_ =	shalt  }
0x5d: {  	_ =	shalt  }
0x5e: {  	_ =	shalt  }
0x5f: {  	_ =	shalt  }
0x60: {  	_ =	shalt  }
0x61: {  	_ =	shalt  }
0x62: {  	_ =	shalt  }
0x63: {  	_ =	shalt  }
0x64: {  	_ =	shalt  }
0x65: {  	_ =	shalt  }
0x66: {  	_ =	shalt  }
0x67: {  	_ =	shalt  }
0x68: {  	_ =	shalt  }
0x69: {  	_ =	shalt  }
0x6a: {  	_ =	shalt  }
0x6b: {  	_ =	shalt  }
0x6c: {  	_ =	shalt  }
0x6d: {  	_ =	shalt  }
0x6e: {  	_ =	shalt  }
0x6f: {  	_ =	shalt  }
0x70: {  	_ =	shalt  }
0x71: {  	_ =	shalt  }
0x72: {  	_ =	shalt  }
0x73: {  	_ =	shalt  }
0x74: {  	_ =	shalt  }
0x75: {  	_ =	shalt  }
0x76: {  	_ =	shalt  }
0x77: {  	_ =	shalt  }
0x78: {  	_ =	shalt  }
0x79: {  	_ =	shalt  }
0x7a: {  	_ =	shalt  }
0x7b: {  	_ =	shalt  }
0x7c: {  	_ =	shalt  }
0x7d: {  	_ =	shalt  }
0x7e: {  	_ =	shalt  }
0x7f: {  	_ =	shalt  }
0x80: {  	_ =	shalt  }
0x81: {  	_ =	shalt  }
0x82: {  	_ =	shalt  }
0x83: {  	_ =	shalt  }
0x84: {  	_ =	shalt  }
0x85: {  	_ =	shalt  }
0x86: {  	_ =	shalt  }
0x87: {  	_ =	shalt  }
.Lfunc_end0:
.L_simem_size_0:
called_computation_lowered:
.L_overlay_start_0:
0x88: {  	s2 =	sld [smem:$0x3FD9]  }
0x89: {  	s3 =	sld [smem:$0x3FFE];
	_ =	sdelay $0x1  }
0x8a: {  	s1 =	srdreg.scid  }
0x8b: {  	s0 =	sand.u32 $0x1, s1  }
0x8c: {  	s17 =	sshll.u32 s0, $0xA;
	s2 =	sadd.s32 s3, s2  }
0x8d: {  	s2 =	sadd.s32 s2, s17  }
0x8e: {  	[smem:$0x3FC4] =	sst s2  }
0x8f: {  	_ = 	snop  }
0x90: {  	s2 =	sld [smem:$0x3FC8]  }
0x91: {  	s18 =	sld [smem:$0x3FD0];
	(tm) =	ssettm $0x1  }
0x92: {  	s4 =	sld [smem:$0x3FFB];
	_ =	sdelay $0x3  }
0x93: {  	_ =	strace s4  }
0x94: {  	s4 =	sld [smem:$0x3FFC];
	_ =	sdelay $0x3  }
0x95: {  	_ =	strace s4  }
0x96: {  	s4 =	sld [smem:$0x3FFD];
	_ =	sdelay $0x3  }
0x97: {  	_ =	strace s4  }
0x98: {  	_ =	strace $0x8FFFFFFF  }
0x99: {  	s19 =	sld [smem:$0x3FDB];
	_ =	sdelay $0x1  }
0x9a: {  	s5 =	simm.s32 $_scs_section_size  }
0x9b: {  	s6 =	simm.s32 $_size__tile_overlayer_lowered;
	s7 =	simm.s32 $_tile_overlayer_lowered  }
0x9c: {  	s22 =	simm.s32 $0x1BFF;
	s21 =	sshll.u32 s7, $0x1;
	s4 =	sadd.s32 s5, s19  }
0x9d: {  	s8 =	simm.s32 $0x0;
	s20 =	sshll.u32 s6, $0x1;
	s6 =	sadd.s32 s21, s4  }
0x9e: {  	[timem:s8], [sflag:s22] =	dma.local [hbm:s6], s20  }
0x9f: {  	_ =	swait.ge [sflag:s22], s20  }
0xa0: {  	s5 =	ssub.s32 $0x0, s20;
	[sflag:s22] =	ssyncset.done $0x0  }
0xa1: {  	[sflag:s22] =	ssyncadd.s32 s5;
	_ =	sdelay $0x1  }
0xa2: {  	s23 =	simm.s32 $0x1B8B  }
0xa3: {  	_ =	swait.ge [sflag:s23], $0x1  }
0xa4: {  	[sflag:s23] =	ssyncset.done $0x0  }
0xa5: {  	s25 =	simm.s32 $0x1B8E;
	s24 =	sld [smem:$0x3FFE];
	[sflag:s23] =	ssyncadd.s32 $0xFFFFFFFF  }
0xa6: {  	s26 =	simm.s32 $execute0_lowered;
	[smem:$0x3FD2] =	sst s25  }
0xa7: {  	s6 =	sshll.u32 s26, $0x1;
	_ =	strace $0x80000046;
	[dreg:$0x1] =	wrdreg $0xFFFFFFFF  }
0xa8: {  	s28 =	simm.s32 $_size_execute0_lowered;
	s4 =	sadd.s32 s4, s6;
	[dreg:$0x0] =	wrdreg $0x0  }
0xa9: {  	s6 =	sshll.u32 s28, $0x1;
	[dreg:$0x2] =	wrdreg s4  }
0xaa: {  	[dreg:$0x3] =	wrdreg s6  }
0xab: {  	[dreg:$0x4] =	wrdreg $0xC0  }
0xac: {  	_ =	task [dreg:s8], $0x5FFFF  }
0xad: {  	[dreg:$0x1] =	wrdreg $0xFFFFFFFF  }
0xae: {  	[dreg:$0x0] =	wrdreg $0x60  }
0xaf: {  	[dreg:$0x2] =	wrdreg s2  }
0xb0: {  	[dreg:$0x3] =	wrdreg s24  }
0xb1: {  	[dreg:$0x4] =	wrdreg s18  }
0xb2: {  	[dreg:$0x5] =	wrdreg $0x9  }
0xb3: {  	_ =	task.clear_ibuf [dreg:s8], $0x6FFFF;
	_ =	strace $0x90000046  }
0xb4: {  	s29 =	simm.s32 $0x9;
	_ =	strace $0x80000048  }
0xb5: {  	_ =	swait.ge [sflag:s29], $0x1  }
0xb6: {  	[sflag:s29] =	ssyncadd.s32 $0xFFFFFFFF  }
0xb7: {  	_ =	strace $0x90000048  }
0xb8: {  	_ =	sfence  }
0xb9: {  	s30 =	sld [smem:$0x0];
	_ =	sdelay $0x2  }
0xba: {  	s31 =	sshll.u32 s1, $0xD;
	s1 =	sshrl.u32 s1, $0x2  }
0xbb: {  	s3 =	sand.u32 $0x4000, s31;
	s1 =	sadd.s32 s1, s30  }
0xbc: {  	s0 =	sor.u32 s3, s0;
	s1 =	sshll.u32 s1, $0x11  }
0xbd: {  	s0 =	sor.u32 s1, s0  }
0xbe: {  	s0 =	sadd.s32 $0x8F2B, s0  }
0xbf: {  	[sflag:s0] =	ssyncadd.remote.s32 $0x1  }
0xc0: {  	_ =	sfence.sel $0xFFFF  }
0xc1: {  	[dreg:$0x0] =	wrdreg $0xFFFFFFFF;
	(pc) =	sbr.abs _section_cstart, $3  }
0xc2: {  	[dreg:$0x1] =	wrdreg $0xFFFFFFFF  }
0xc3: {  	_ =	task.clear_ibuf [dreg:s8], $0x2FFFF;
	_ =	strace $0x9FFFFFFF  }
0xc4: {  	(tm) =	ssettm $0x7FFFFFFF  }
0xc5: {  	_ =	shalt  }
tec
execute0_lowered:
.L_overlay_start_1:
0x0: {  	(tag) =	ssettag $0x1  }
0x1: {  	s1 =	rddreg [dreg:$0x0]  }
0x2: {  	s2 =	srdreg.scid;
	s4 =	rddreg [dreg:$0x1]  }
0x3: {  	s0 =	stileid.u32;
	s12 =	rddreg [dreg:$0x2];
	s28 =	simm.s32 $0x2  }
0x4: {  	s29 =	simm.s32 $0x2900;
	s30 =	simm.s32 $0x3100;
	s31 =	simm.s32 $0x3900  }
0x5: {  	s5 =	sand.u32 $0x1, s2;
	s3 =	sshll.u32 s0, $0x9;
	s2 =	simm.s32 $0x0  }
0x6: {  	s14 =	sadd.s32 $0x1800, s4;
	s6 =	sshll.u32 s5, $0x8;
	[smem:$0x7FF] =	sst s2  }
0x7: {  	s5 =	ssub.s32 $0x2, s5;
	s11 =	sor.u32 s6, s3;
	_ =	strace $0x80000047  }
0x8: {  	s3 =	sshrl.u32 s11, $0x3;
	s16 =	sshll.u32 s11, $0x5;
	s6 =	sshll.u32 s11, $0x4  }
0x9: {  	s7 =	sor.u32 $0x20, s11;
	s22 =	sor.u32 $0x40, s11;
	s8 =	sor.u32 $0x60, s11  }
0xa: {  	s13 =	sor.u32 $0x80, s11;
	s3 =	sadd.s32 s12, s3;
	s17 =	sadd.s32 s14, s6  }
0xb: {  	s18 =	sshrl.u32 s7, $0x3;
	s20 =	sshll.u32 s7, $0x5;
	s21 =	sshll.u32 s7, $0x4  }
0xc: {  	s24 =	sshrl.u32 s22, $0x3;
	s25 =	sshll.u32 s22, $0x5;
	[dreg:$0x4] =	wrdreg s3  }
0xd: {  	s7 =	sshll.u32 s22, $0x4;
	s3 =	sadd.s32 s1, s16;
	[dreg:$0x6] =	wrdreg s17  }
0xe: {  	s0 =	sshrl.u32 s8, $0x3;
	s19 =	sadd.s32 s12, s18;
	[dreg:$0x5] =	wrdreg s3  }
0xf: {  	s9 =	sshll.u32 s8, $0x5;
	s23 =	sadd.s32 s14, s21;
	[dreg:$0x7] =	wrdreg s19  }
0x10: {  	s10 =	sshll.u32 s8, $0x4;
	s6 =	sadd.s32 s12, s24;
	[dreg:$0x9] =	wrdreg s23  }
0x11: {  	s26 =	sadd.s32 s14, s7;
	s7 =	sadd.s32 s12, s0;
	[dreg:$0xa] =	wrdreg s6  }
0x12: {  	s15 =	sadd.s32 s14, s10;
	s16 =	sshrl.u32 s13, $0x3;
	[dreg:$0xc] =	wrdreg s26  }
0x13: {  	s18 =	sshll.u32 s13, $0x5;
	s3 =	sadd.s32 s1, s20;
	[dreg:$0xd] =	wrdreg s7  }
0x14: {  	s6 =	sadd.s32 s1, s25;
	[dreg:$0xf] =	wrdreg s15;
	s17 =	sadd.s32 s12, s16  }
0x15: {  	s19 =	sshll.u32 s13, $0x4;
	s20 =	sor.u32 $0xA0, s11;
	s13 =	sor.u32 $0xC0, s11  }
0x16: {  	s16 =	sor.u32 $0xE0, s11;
	[dreg:$0x8] =	wrdreg s3;
	s3 =	sadd.s32 $0x21800, s4  }
0x17: {  	[dreg:$0xb] =	wrdreg s6;
	s4 =	sadd.s32 $0x69800, s4;
	s6 =	sadd.s32 s1, s9  }
0x18: {  	s9 =	sshrl.u32 s5, $0x1;
	[dreg:$0x10] =	wrdreg s17;
	s21 =	sadd.s32 s14, s19  }
0x19: {  	s22 =	sshrl.u32 s20, $0x3;
	s23 =	sshll.u32 s20, $0x5;
	s8 =	sshll.u32 s20, $0x4  }
0x1a: {  	s24 =	sshrl.u32 s13, $0x3;
	s10 =	sshll.u32 s13, $0x5;
	s13 =	sshll.u32 s13, $0x4  }
0x1b: {  	s25 =	sshrl.u32 s16, $0x3;
	s17 =	sshll.u32 s16, $0x5;
	s26 =	sshll.u32 s16, $0x4  }
0x1c: {  	s16 =	simm.s32 $0x100;
	s19 =	simm.s32 $0x2100;
	s20 =	simm.s32 $0x5100  }
0x1d: {  	[dreg:$0xe] =	wrdreg s6;
	s15 =	ssub.s32 s5, s9;
	s5 =	sadd.s32 s1, s18  }
0x1e: {  	[dreg:$0x12] =	wrdreg s21;
	s6 =	sadd.s32 s12, s22;
	s7 =	sadd.s32 s1, s23  }
0x1f: {  	s8 =	sadd.s32 s14, s8;
	s9 =	sadd.s32 s12, s24;
	s10 =	sadd.s32 s1, s10  }
0x20: {  	s11 =	sadd.s32 s14, s13;
	s12 =	sadd.s32 s12, s25;
	s13 =	sadd.s32 s1, s17  }
0x21: {  	s14 =	sadd.s32 s14, s26;
	s17 =	simm.s32 $0x4100;
	s18 =	simm.s32 $0x80  }
0x22: {  	v2 =	vlaneseq.u32;
	s21 =	simm.s32 $0x1;
	s22 =	simm.s32 $0x900;
	s23 =	simm.s32 $0x1100  }
0x23: {  	vm0 =	vmmov $0xffff;
	v1 =	vshrl.u32 v2, $0x3;
	s24 =	simm.s32 $0x1900;
	s25 =	simm.s32 $0x20;
	s26 =	simm.s32 $0x3  }
0x24: {  	v0 =	vand.u32 $0x7, v2;
	v2 =	vor.u32 $0x8, v2;
	v1 =	vmul.u32 $0x8, v1;
	s1 =	simm.s32 $0x4;
	[dreg:$0x11] =	wrdreg s5;
	s15 =	smax.u32 s15, $0x1  }
.LBB2_1:
0x25: {  	s0 =	rddreg [dreg:$0x4]  }
0x26: {  	[tilespmem:s2], [sflag:$0x1] =	stream.linear.gather [hbm4b:s0+s2], $0x20, $0x38;
	[tilespmem:$0x6100] =	vst v63  }
0x27: {  	s5 =	rddreg [dreg:$0x5]  }
0x28: {  	[tilespmem:s16], [sflag:$0x1] =	stream.linear.gather [hbm4b:s5+s2], $0x2000, $0x38;
	[tilespmem:$0x6100] =	vst v63  }
0x29: {  	s0 =	rddreg [dreg:$0x6]  }
0x2a: {  	[tilespmem:s17], [sflag:$0x1] =	stream.linear.gather [hbm4b:s0+s2], $0x1000, $0x38;
	[tilespmem:$0x6100] =	vst v63  }
0x2b: {  	s5 =	rddreg [dreg:$0x7]  }
0x2c: {  	[tilespmem:s18], [sflag:$0x2] =	stream.linear.gather [hbm4b:s5+s2], $0x20, $0x38;
	[tilespmem:$0x6100] =	vst v63  }
0x2d: {  	s0 =	rddreg [dreg:$0x8]  }
0x2e: {  	[tilespmem:s19], [sflag:$0x2] =	stream.linear.gather [hbm4b:s0+s2], $0x2000, $0x38;
	[tilespmem:$0x6100] =	vst v63  }
0x2f: {  	s5 =	rddreg [dreg:$0x9]  }
0x30: {  	[tilespmem:s20], [sflag:$0x2] =	stream.linear.gather [hbm4b:s5+s2], $0x1000, $0x38;
	[tilespmem:$0x6100] =	vst v63  }
0x31: {  	_ =	swait.ge [sflag:s21], $0x20  }
0x32: {  	[sflag:s21] =	ssyncset.done $0x0  }
0x33: {  	[sflag:s21] =	ssyncadd.s32 $0xFFFFFFE0  }
0x34: {  	_ =	swait.ge [sflag:s21], $0x2000  }
0x35: {  	[sflag:s21] =	ssyncset.done $0x0  }
0x36: {  	[sflag:s21] =	ssyncadd.s32 $0xFFFFE000  }
0x37: {  	_ =	swait.ge [sflag:s21], $0x1000  }
0x38: {  	[sflag:s21] =	ssyncset.done $0x0  }
0x39: {  	[sflag:s21] =	ssyncadd.s32 $0xFFFFF000  }
0x3a: {  	v3 =	vld [tilespmem:$0x0];
	_ =	sdelay $0x4  }
0x3b: {  	v4 =	vshll.u32 v3, $0x1  }
0x3c: {  	v3 =	vand.u32 $0x7, v3;
	v4 =	vand.u32 $0xFFFFFFF0, v4  }
0x3d: {  	v3 =	vor.u32 v3, v4  }
0x3e: {  	v4 =	vperm.xlane v3, v0;
	_ =	sdelay $0x1  }
0x3f: {  	v3 =	vperm.xlane v3, v2;
	v4 =	vadd.s32 v1, v4;
	_ =	sdelay $0x1  }
0x40: {  	v3 =	vadd.s32 v1, v3;
	_ =	sdelay $0x2  }
0x41: {  	[hbm4b:s3+s2] =	stream.indirect_vreg.scatter [tilespmem:s16], [sflag:$0x3], $0x80, v4, vm0, $0xb8;
	[tilespmem:$0x6100] =	vst v63  }
0x42: {  	_ = 	snop  }
0x43: {  	[hbm4b:s3+s2] =	stream.indirect_vreg.scatter [tilespmem:s22], [sflag:$0x3], $0x80, v3, vm0, $0xb8;
	[tilespmem:$0x6100] =	vst v63  }
0x44: {  	v3 =	vld [tilespmem:$0x10];
	_ =	sdelay $0x4  }
0x45: {  	v49 =	vshll.u32 v3, $0x1  }
0x46: {  	v3 =	vand.u32 $0x7, v3;
	v4 =	vand.u32 $0xFFFFFFF0, v49  }
0x47: {  	v3 =	vor.u32 v3, v4  }
0x48: {  	v4 =	vperm.xlane v3, v0;
	_ =	sdelay $0x1  }
0x49: {  	v3 =	vperm.xlane v3, v2;
	v4 =	vadd.s32 v1, v4;
	_ =	sdelay $0x1  }
0x4a: {  	v3 =	vadd.s32 v1, v3;
	_ =	sdelay $0x2  }
0x4b: {  	[hbm4b:s3+s2] =	stream.indirect_vreg.scatter [tilespmem:s23], [sflag:$0x3], $0x80, v4, vm0, $0xb8;
	[tilespmem:$0x6100] =	vst v63  }
0x4c: {  	_ = 	snop  }
0x4d: {  	[hbm4b:s3+s2] =	stream.indirect_vreg.scatter [tilespmem:s24], [sflag:$0x3], $0x80, v3, vm0, $0xb8;
	[tilespmem:$0x6100] =	vst v63  }
0x4e: {  	_ = 	snop  }
0x4f: {  	[hbm4b:s4+s25] =	stream.indirect.scatter [tilespmem:s17], [sflag:$0x3], $0x80, s2, s25, $0xb8;
	[tilespmem:$0x6100] =	vst v63  }
0x50: {  	_ =	swait.ge [sflag:s26], $0x2000  }
0x51: {  	[sflag:s26] =	ssyncset.done $0x0  }
0x52: {  	[sflag:s26] =	ssyncadd.s32 $0xFFFFE000  }
0x53: {  	_ =	swait.ge [sflag:s26], $0x1000  }
0x54: {  	[sflag:s26] =	ssyncset.done $0x0  }
0x55: {  	s0 =	rddreg [dreg:$0xa];
	[sflag:s26] =	ssyncadd.s32 $0xFFFFF000  }
0x56: {  	[tilespmem:s2], [sflag:$0x1] =	stream.linear.gather [hbm4b:s0+s2], $0x20, $0x38;
	[tilespmem:$0x6100] =	vst v63  }
0x57: {  	s5 =	rddreg [dreg:$0xb]  }
0x58: {  	[tilespmem:s16], [sflag:$0x1] =	stream.linear.gather [hbm4b:s5+s2], $0x2000, $0x38;
	[tilespmem:$0x6100] =	vst v63  }
0x59: {  	s0 =	rddreg [dreg:$0xc]  }
0x5a: {  	[tilespmem:s17], [sflag:$0x1] =	stream.linear.gather [hbm4b:s0+s2], $0x1000, $0x38;
	[tilespmem:$0x6100] =	vst v63  }
0x5b: {  	_ =	swait.ge [sflag:s28], $0x20  }
0x5c: {  	[sflag:s28] =	ssyncset.done $0x0  }
0x5d: {  	[sflag:s28] =	ssyncadd.s32 $0xFFFFFFE0  }
0x5e: {  	_ =	swait.ge [sflag:s28], $0x2000  }
0x5f: {  	[sflag:s28] =	ssyncset.done $0x0  }
0x60: {  	[sflag:s28] =	ssyncadd.s32 $0xFFFFE000  }
0x61: {  	_ =	swait.ge [sflag:s28], $0x1000  }
0x62: {  	[sflag:s28] =	ssyncset.done $0x0  }
0x63: {  	[sflag:s28] =	ssyncadd.s32 $0xFFFFF000  }
0x64: {  	v3 =	vld [tilespmem:$0x80];
	_ =	sdelay $0x4  }
0x65: {  	v50 =	vshll.u32 v3, $0x1  }
0x66: {  	v3 =	vand.u32 $0x7, v3;
	v4 =	vand.u32 $0xFFFFFFF0, v50  }
0x67: {  	v3 =	vor.u32 v3, v4  }
0x68: {  	v4 =	vperm.xlane v3, v0;
	_ =	sdelay $0x1  }
0x69: {  	v3 =	vperm.xlane v3, v2;
	v4 =	vadd.s32 v1, v4;
	_ =	sdelay $0x1  }
0x6a: {  	v3 =	vadd.s32 v1, v3;
	_ =	sdelay $0x2  }
0x6b: {  	[hbm4b:s3+s2] =	stream.indirect_vreg.scatter [tilespmem:s19], [sflag:$0x4], $0x80, v4, vm0, $0xb8;
	[tilespmem:$0x6100] =	vst v63  }
0x6c: {  	_ = 	snop  }
0x6d: {  	[hbm4b:s3+s2] =	stream.indirect_vreg.scatter [tilespmem:s29], [sflag:$0x4], $0x80, v3, vm0, $0xb8;
	[tilespmem:$0x6100] =	vst v63  }
0x6e: {  	v3 =	vld [tilespmem:$0x90];
	_ =	sdelay $0x4  }
0x6f: {  	v51 =	vshll.u32 v3, $0x1  }
0x70: {  	v3 =	vand.u32 $0x7, v3;
	v4 =	vand.u32 $0xFFFFFFF0, v51  }
0x71: {  	v3 =	vor.u32 v3, v4  }
0x72: {  	v4 =	vperm.xlane v3, v0;
	_ =	sdelay $0x1  }
0x73: {  	v3 =	vperm.xlane v3, v2;
	v4 =	vadd.s32 v1, v4;
	_ =	sdelay $0x1  }
0x74: {  	v3 =	vadd.s32 v1, v3;
	_ =	sdelay $0x2  }
0x75: {  	[hbm4b:s3+s2] =	stream.indirect_vreg.scatter [tilespmem:s30], [sflag:$0x4], $0x80, v4, vm0, $0xb8;
	[tilespmem:$0x6100] =	vst v63  }
0x76: {  	_ = 	snop  }
0x77: {  	[hbm4b:s3+s2] =	stream.indirect_vreg.scatter [tilespmem:s31], [sflag:$0x4], $0x80, v3, vm0, $0xb8;
	[tilespmem:$0x6100] =	vst v63  }
0x78: {  	_ = 	snop  }
0x79: {  	[hbm4b:s4+s25] =	stream.indirect.scatter [tilespmem:s20], [sflag:$0x4], $0x80, s18, s25, $0xb8;
	[tilespmem:$0x6100] =	vst v63  }
0x7a: {  	_ =	swait.ge [sflag:s1], $0x2000  }
0x7b: {  	[sflag:s1] =	ssyncset.done $0x0  }
0x7c: {  	[sflag:s1] =	ssyncadd.s32 $0xFFFFE000  }
0x7d: {  	_ =	swait.ge [sflag:s1], $0x1000  }
0x7e: {  	[sflag:s1] =	ssyncset.done $0x0  }
0x7f: {  	s0 =	rddreg [dreg:$0xd];
	[sflag:s1] =	ssyncadd.s32 $0xFFFFF000  }
0x80: {  	[tilespmem:s18], [sflag:$0x2] =	stream.linear.gather [hbm4b:s0+s2], $0x20, $0x38;
	[tilespmem:$0x6100] =	vst v63  }
0x81: {  	s5 =	rddreg [dreg:$0xe]  }
0x82: {  	[tilespmem:s19], [sflag:$0x2] =	stream.linear.gather [hbm4b:s5+s2], $0x2000, $0x38;
	[tilespmem:$0x6100] =	vst v63  }
0x83: {  	s0 =	rddreg [dreg:$0xf]  }
0x84: {  	[tilespmem:s20], [sflag:$0x2] =	stream.linear.gather [hbm4b:s0+s2], $0x1000, $0x38;
	[tilespmem:$0x6100] =	vst v63  }
0x85: {  	_ =	swait.ge [sflag:s21], $0x20  }
0x86: {  	[sflag:s21] =	ssyncset.done $0x0  }
0x87: {  	[sflag:s21] =	ssyncadd.s32 $0xFFFFFFE0  }
0x88: {  	_ =	swait.ge [sflag:s21], $0x2000  }
0x89: {  	[sflag:s21] =	ssyncset.done $0x0  }
0x8a: {  	[sflag:s21] =	ssyncadd.s32 $0xFFFFE000  }
0x8b: {  	_ =	swait.ge [sflag:s21], $0x1000  }
0x8c: {  	[sflag:s21] =	ssyncset.done $0x0  }
0x8d: {  	[sflag:s21] =	ssyncadd.s32 $0xFFFFF000  }
0x8e: {  	v3 =	vld [tilespmem:$0x0];
	_ =	sdelay $0x4  }
0x8f: {  	v52 =	vshll.u32 v3, $0x1  }
0x90: {  	v3 =	vand.u32 $0x7, v3;
	v4 =	vand.u32 $0xFFFFFFF0, v52  }
0x91: {  	v3 =	vor.u32 v3, v4  }
0x92: {  	v4 =	vperm.xlane v3, v0;
	_ =	sdelay $0x1  }
0x93: {  	v3 =	vperm.xlane v3, v2;
	v4 =	vadd.s32 v1, v4;
	_ =	sdelay $0x1  }
0x94: {  	v3 =	vadd.s32 v1, v3;
	_ =	sdelay $0x2  }
0x95: {  	[hbm4b:s3+s2] =	stream.indirect_vreg.scatter [tilespmem:s16], [sflag:$0x3], $0x80, v4, vm0, $0xb8;
	[tilespmem:$0x6100] =	vst v63  }
0x96: {  	_ = 	snop  }
0x97: {  	[hbm4b:s3+s2] =	stream.indirect_vreg.scatter [tilespmem:s22], [sflag:$0x3], $0x80, v3, vm0, $0xb8;
	[tilespmem:$0x6100] =	vst v63  }
0x98: {  	v3 =	vld [tilespmem:$0x10];
	_ =	sdelay $0x4  }
0x99: {  	v53 =	vshll.u32 v3, $0x1  }
0x9a: {  	v3 =	vand.u32 $0x7, v3;
	v4 =	vand.u32 $0xFFFFFFF0, v53  }
0x9b: {  	v3 =	vor.u32 v3, v4  }
0x9c: {  	v4 =	vperm.xlane v3, v0;
	_ =	sdelay $0x1  }
0x9d: {  	v3 =	vperm.xlane v3, v2;
	v4 =	vadd.s32 v1, v4;
	_ =	sdelay $0x1  }
0x9e: {  	v3 =	vadd.s32 v1, v3;
	_ =	sdelay $0x2  }
0x9f: {  	[hbm4b:s3+s2] =	stream.indirect_vreg.scatter [tilespmem:s23], [sflag:$0x3], $0x80, v4, vm0, $0xb8;
	[tilespmem:$0x6100] =	vst v63  }
0xa0: {  	_ = 	snop  }
0xa1: {  	[hbm4b:s3+s2] =	stream.indirect_vreg.scatter [tilespmem:s24], [sflag:$0x3], $0x80, v3, vm0, $0xb8;
	[tilespmem:$0x6100] =	vst v63  }
0xa2: {  	_ = 	snop  }
0xa3: {  	[hbm4b:s4+s25] =	stream.indirect.scatter [tilespmem:s17], [sflag:$0x3], $0x80, s2, s25, $0xb8;
	[tilespmem:$0x6100] =	vst v63  }
0xa4: {  	_ =	swait.ge [sflag:s26], $0x2000  }
0xa5: {  	[sflag:s26] =	ssyncset.done $0x0  }
0xa6: {  	[sflag:s26] =	ssyncadd.s32 $0xFFFFE000  }
0xa7: {  	_ =	swait.ge [sflag:s26], $0x1000  }
0xa8: {  	[sflag:s26] =	ssyncset.done $0x0  }
0xa9: {  	s0 =	rddreg [dreg:$0x10];
	[sflag:s26] =	ssyncadd.s32 $0xFFFFF000  }
0xaa: {  	[tilespmem:s2], [sflag:$0x1] =	stream.linear.gather [hbm4b:s0+s2], $0x20, $0x38;
	[tilespmem:$0x6100] =	vst v63  }
0xab: {  	s5 =	rddreg [dreg:$0x11]  }
0xac: {  	[tilespmem:s16], [sflag:$0x1] =	stream.linear.gather [hbm4b:s5+s2], $0x2000, $0x38;
	[tilespmem:$0x6100] =	vst v63  }
0xad: {  	s5 =	rddreg [dreg:$0x12]  }
0xae: {  	[tilespmem:s17], [sflag:$0x1] =	stream.linear.gather [hbm4b:s5+s2], $0x1000, $0x38;
	[tilespmem:$0x6100] =	vst v63  }
0xaf: {  	_ =	swait.ge [sflag:s28], $0x20  }
0xb0: {  	[sflag:s28] =	ssyncset.done $0x0  }
0xb1: {  	[sflag:s28] =	ssyncadd.s32 $0xFFFFFFE0  }
0xb2: {  	_ =	swait.ge [sflag:s28], $0x2000  }
0xb3: {  	[sflag:s28] =	ssyncset.done $0x0  }
0xb4: {  	[sflag:s28] =	ssyncadd.s32 $0xFFFFE000  }
0xb5: {  	_ =	swait.ge [sflag:s28], $0x1000  }
0xb6: {  	[sflag:s28] =	ssyncset.done $0x0  }
0xb7: {  	[sflag:s28] =	ssyncadd.s32 $0xFFFFF000  }
0xb8: {  	v3 =	vld [tilespmem:$0x80];
	_ =	sdelay $0x4  }
0xb9: {  	v54 =	vshll.u32 v3, $0x1  }
0xba: {  	v3 =	vand.u32 $0x7, v3;
	v4 =	vand.u32 $0xFFFFFFF0, v54  }
0xbb: {  	v3 =	vor.u32 v3, v4  }
0xbc: {  	v4 =	vperm.xlane v3, v0;
	_ =	sdelay $0x1  }
0xbd: {  	v3 =	vperm.xlane v3, v2;
	v4 =	vadd.s32 v1, v4;
	_ =	sdelay $0x1  }
0xbe: {  	v3 =	vadd.s32 v1, v3;
	_ =	sdelay $0x2  }
0xbf: {  	[hbm4b:s3+s2] =	stream.indirect_vreg.scatter [tilespmem:s19], [sflag:$0x4], $0x80, v4, vm0, $0xb8;
	[tilespmem:$0x6100] =	vst v63  }
0xc0: {  	_ = 	snop  }
0xc1: {  	[hbm4b:s3+s2] =	stream.indirect_vreg.scatter [tilespmem:s29], [sflag:$0x4], $0x80, v3, vm0, $0xb8;
	[tilespmem:$0x6100] =	vst v63  }
0xc2: {  	v3 =	vld [tilespmem:$0x90];
	_ =	sdelay $0x4  }
0xc3: {  	v55 =	vshll.u32 v3, $0x1  }
0xc4: {  	v3 =	vand.u32 $0x7, v3;
	v4 =	vand.u32 $0xFFFFFFF0, v55  }
0xc5: {  	v3 =	vor.u32 v3, v4  }
0xc6: {  	v4 =	vperm.xlane v3, v0;
	_ =	sdelay $0x1  }
0xc7: {  	v3 =	vperm.xlane v3, v2;
	v4 =	vadd.s32 v1, v4;
	_ =	sdelay $0x1  }
0xc8: {  	v3 =	vadd.s32 v1, v3;
	_ =	sdelay $0x2  }
0xc9: {  	[hbm4b:s3+s2] =	stream.indirect_vreg.scatter [tilespmem:s30], [sflag:$0x4], $0x80, v4, vm0, $0xb8;
	[tilespmem:$0x6100] =	vst v63  }
0xca: {  	_ = 	snop  }
0xcb: {  	[hbm4b:s3+s2] =	stream.indirect_vreg.scatter [tilespmem:s31], [sflag:$0x4], $0x80, v3, vm0, $0xb8;
	[tilespmem:$0x6100] =	vst v63  }
0xcc: {  	_ = 	snop  }
0xcd: {  	[hbm4b:s4+s25] =	stream.indirect.scatter [tilespmem:s20], [sflag:$0x4], $0x80, s18, s25, $0xb8;
	[tilespmem:$0x6100] =	vst v63  }
0xce: {  	_ =	swait.ge [sflag:s1], $0x2000  }
0xcf: {  	[sflag:s1] =	ssyncset.done $0x0  }
0xd0: {  	[sflag:s1] =	ssyncadd.s32 $0xFFFFE000  }
0xd1: {  	_ =	swait.ge [sflag:s1], $0x1000  }
0xd2: {  	[sflag:s1] =	ssyncset.done $0x0  }
0xd3: {  	[sflag:s1] =	ssyncadd.s32 $0xFFFFF000  }
0xd4: {  	[tilespmem:s18], [sflag:$0x2] =	stream.linear.gather [hbm4b:s6+s2], $0x20, $0x38;
	[tilespmem:$0x6100] =	vst v63  }
0xd5: {  	_ = 	snop  }
0xd6: {  	[tilespmem:s19], [sflag:$0x2] =	stream.linear.gather [hbm4b:s7+s2], $0x2000, $0x38;
	[tilespmem:$0x6100] =	vst v63  }
0xd7: {  	_ = 	snop  }
0xd8: {  	[tilespmem:s20], [sflag:$0x2] =	stream.linear.gather [hbm4b:s8+s2], $0x1000, $0x38;
	[tilespmem:$0x6100] =	vst v63  }
0xd9: {  	_ =	swait.ge [sflag:s21], $0x20  }
0xda: {  	[sflag:s21] =	ssyncset.done $0x0  }
0xdb: {  	[sflag:s21] =	ssyncadd.s32 $0xFFFFFFE0  }
0xdc: {  	_ =	swait.ge [sflag:s21], $0x2000  }
0xdd: {  	[sflag:s21] =	ssyncset.done $0x0  }
0xde: {  	[sflag:s21] =	ssyncadd.s32 $0xFFFFE000  }
0xdf: {  	_ =	swait.ge [sflag:s21], $0x1000  }
0xe0: {  	[sflag:s21] =	ssyncset.done $0x0  }
0xe1: {  	[sflag:s21] =	ssyncadd.s32 $0xFFFFF000  }
0xe2: {  	v3 =	vld [tilespmem:$0x0];
	_ =	sdelay $0x4  }
0xe3: {  	v56 =	vshll.u32 v3, $0x1  }
0xe4: {  	v3 =	vand.u32 $0x7, v3;
	v4 =	vand.u32 $0xFFFFFFF0, v56  }
0xe5: {  	v3 =	vor.u32 v3, v4  }
0xe6: {  	v4 =	vperm.xlane v3, v0;
	_ =	sdelay $0x1  }
0xe7: {  	v3 =	vperm.xlane v3, v2;
	v4 =	vadd.s32 v1, v4;
	_ =	sdelay $0x1  }
0xe8: {  	v3 =	vadd.s32 v1, v3;
	_ =	sdelay $0x2  }
0xe9: {  	[hbm4b:s3+s2] =	stream.indirect_vreg.scatter [tilespmem:s16], [sflag:$0x3], $0x80, v4, vm0, $0xb8;
	[tilespmem:$0x6100] =	vst v63  }
0xea: {  	_ = 	snop  }
0xeb: {  	[hbm4b:s3+s2] =	stream.indirect_vreg.scatter [tilespmem:s22], [sflag:$0x3], $0x80, v3, vm0, $0xb8;
	[tilespmem:$0x6100] =	vst v63  }
0xec: {  	v3 =	vld [tilespmem:$0x10];
	_ =	sdelay $0x4  }
0xed: {  	v57 =	vshll.u32 v3, $0x1  }
0xee: {  	v3 =	vand.u32 $0x7, v3;
	v4 =	vand.u32 $0xFFFFFFF0, v57  }
0xef: {  	v3 =	vor.u32 v3, v4  }
0xf0: {  	v4 =	vperm.xlane v3, v0;
	_ =	sdelay $0x1  }
0xf1: {  	v3 =	vperm.xlane v3, v2;
	v4 =	vadd.s32 v1, v4;
	_ =	sdelay $0x1  }
0xf2: {  	v3 =	vadd.s32 v1, v3;
	_ =	sdelay $0x2  }
0xf3: {  	[hbm4b:s3+s2] =	stream.indirect_vreg.scatter [tilespmem:s23], [sflag:$0x3], $0x80, v4, vm0, $0xb8;
	[tilespmem:$0x6100] =	vst v63  }
0xf4: {  	_ = 	snop  }
0xf5: {  	[hbm4b:s3+s2] =	stream.indirect_vreg.scatter [tilespmem:s24], [sflag:$0x3], $0x80, v3, vm0, $0xb8;
	[tilespmem:$0x6100] =	vst v63  }
0xf6: {  	_ = 	snop  }
0xf7: {  	[hbm4b:s4+s25] =	stream.indirect.scatter [tilespmem:s17], [sflag:$0x3], $0x80, s2, s25, $0xb8;
	[tilespmem:$0x6100] =	vst v63  }
0xf8: {  	_ =	swait.ge [sflag:s26], $0x2000  }
0xf9: {  	[sflag:s26] =	ssyncset.done $0x0  }
0xfa: {  	[sflag:s26] =	ssyncadd.s32 $0xFFFFE000  }
0xfb: {  	_ =	swait.ge [sflag:s26], $0x1000  }
0xfc: {  	[sflag:s26] =	ssyncset.done $0x0  }
0xfd: {  	[sflag:s26] =	ssyncadd.s32 $0xFFFFF000  }
0xfe: {  	[tilespmem:s2], [sflag:$0x1] =	stream.linear.gather [hbm4b:s9+s2], $0x20, $0x38;
	[tilespmem:$0x6100] =	vst v63  }
0xff: {  	_ = 	snop  }
0x100: {  	[tilespmem:s16], [sflag:$0x1] =	stream.linear.gather [hbm4b:s10+s2], $0x2000, $0x38;
	[tilespmem:$0x6100] =	vst v63  }
0x101: {  	_ = 	snop  }
0x102: {  	[tilespmem:s17], [sflag:$0x1] =	stream.linear.gather [hbm4b:s11+s2], $0x1000, $0x38;
	[tilespmem:$0x6100] =	vst v63  }
0x103: {  	_ =	swait.ge [sflag:s28], $0x20  }
0x104: {  	[sflag:s28] =	ssyncset.done $0x0  }
0x105: {  	[sflag:s28] =	ssyncadd.s32 $0xFFFFFFE0  }
0x106: {  	_ =	swait.ge [sflag:s28], $0x2000  }
0x107: {  	[sflag:s28] =	ssyncset.done $0x0  }
0x108: {  	[sflag:s28] =	ssyncadd.s32 $0xFFFFE000  }
0x109: {  	_ =	swait.ge [sflag:s28], $0x1000  }
0x10a: {  	[sflag:s28] =	ssyncset.done $0x0  }
0x10b: {  	[sflag:s28] =	ssyncadd.s32 $0xFFFFF000  }
0x10c: {  	v3 =	vld [tilespmem:$0x80];
	_ =	sdelay $0x4  }
0x10d: {  	v58 =	vshll.u32 v3, $0x1  }
0x10e: {  	v3 =	vand.u32 $0x7, v3;
	v4 =	vand.u32 $0xFFFFFFF0, v58  }
0x10f: {  	v3 =	vor.u32 v3, v4  }
0x110: {  	v4 =	vperm.xlane v3, v0;
	_ =	sdelay $0x1  }
0x111: {  	v3 =	vperm.xlane v3, v2;
	v4 =	vadd.s32 v1, v4;
	_ =	sdelay $0x1  }
0x112: {  	v3 =	vadd.s32 v1, v3;
	_ =	sdelay $0x2  }
0x113: {  	[hbm4b:s3+s2] =	stream.indirect_vreg.scatter [tilespmem:s19], [sflag:$0x4], $0x80, v4, vm0, $0xb8;
	[tilespmem:$0x6100] =	vst v63  }
0x114: {  	_ = 	snop  }
0x115: {  	[hbm4b:s3+s2] =	stream.indirect_vreg.scatter [tilespmem:s29], [sflag:$0x4], $0x80, v3, vm0, $0xb8;
	[tilespmem:$0x6100] =	vst v63  }
0x116: {  	v3 =	vld [tilespmem:$0x90];
	_ =	sdelay $0x4  }
0x117: {  	v59 =	vshll.u32 v3, $0x1  }
0x118: {  	v3 =	vand.u32 $0x7, v3;
	v4 =	vand.u32 $0xFFFFFFF0, v59  }
0x119: {  	v3 =	vor.u32 v3, v4  }
0x11a: {  	v4 =	vperm.xlane v3, v0;
	_ =	sdelay $0x1  }
0x11b: {  	v3 =	vperm.xlane v3, v2;
	v4 =	vadd.s32 v1, v4;
	_ =	sdelay $0x1  }
0x11c: {  	v3 =	vadd.s32 v1, v3;
	_ =	sdelay $0x2  }
0x11d: {  	[hbm4b:s3+s2] =	stream.indirect_vreg.scatter [tilespmem:s30], [sflag:$0x4], $0x80, v4, vm0, $0xb8;
	[tilespmem:$0x6100] =	vst v63  }
0x11e: {  	_ = 	snop  }
0x11f: {  	[hbm4b:s3+s2] =	stream.indirect_vreg.scatter [tilespmem:s31], [sflag:$0x4], $0x80, v3, vm0, $0xb8;
	[tilespmem:$0x6100] =	vst v63  }
0x120: {  	_ = 	snop  }
0x121: {  	[hbm4b:s4+s25] =	stream.indirect.scatter [tilespmem:s20], [sflag:$0x4], $0x80, s18, s25, $0xb8;
	[tilespmem:$0x6100] =	vst v63  }
0x122: {  	_ =	swait.ge [sflag:s1], $0x2000  }
0x123: {  	[sflag:s1] =	ssyncset.done $0x0  }
0x124: {  	[sflag:s1] =	ssyncadd.s32 $0xFFFFE000  }
0x125: {  	_ =	swait.ge [sflag:s1], $0x1000  }
0x126: {  	[sflag:s1] =	ssyncset.done $0x0  }
0x127: {  	[sflag:s1] =	ssyncadd.s32 $0xFFFFF000  }
0x128: {  	[tilespmem:s18], [sflag:$0x2] =	stream.linear.gather [hbm4b:s12+s2], $0x20, $0x38;
	[tilespmem:$0x6100] =	vst v63  }
0x129: {  	_ = 	snop  }
0x12a: {  	[tilespmem:s19], [sflag:$0x2] =	stream.linear.gather [hbm4b:s13+s2], $0x2000, $0x38;
	[tilespmem:$0x6100] =	vst v63  }
0x12b: {  	_ = 	snop  }
0x12c: {  	[tilespmem:s20], [sflag:$0x2] =	stream.linear.gather [hbm4b:s14+s2], $0x1000, $0x38;
	[tilespmem:$0x6100] =	vst v63  }
0x12d: {  	_ =	swait.ge [sflag:s21], $0x20  }
0x12e: {  	[sflag:s21] =	ssyncset.done $0x0  }
0x12f: {  	[sflag:s21] =	ssyncadd.s32 $0xFFFFFFE0  }
0x130: {  	_ =	swait.ge [sflag:s21], $0x2000  }
0x131: {  	[sflag:s21] =	ssyncset.done $0x0  }
0x132: {  	[sflag:s21] =	ssyncadd.s32 $0xFFFFE000  }
0x133: {  	_ =	swait.ge [sflag:s21], $0x1000  }
0x134: {  	[sflag:s21] =	ssyncset.done $0x0  }
0x135: {  	[sflag:s21] =	ssyncadd.s32 $0xFFFFF000  }
0x136: {  	v3 =	vld [tilespmem:$0x0];
	_ =	sdelay $0x4  }
0x137: {  	v60 =	vshll.u32 v3, $0x1  }
0x138: {  	v3 =	vand.u32 $0x7, v3;
	v4 =	vand.u32 $0xFFFFFFF0, v60  }
0x139: {  	v3 =	vor.u32 v3, v4  }
0x13a: {  	v4 =	vperm.xlane v3, v0;
	_ =	sdelay $0x1  }
0x13b: {  	v3 =	vperm.xlane v3, v2;
	v4 =	vadd.s32 v1, v4;
	_ =	sdelay $0x1  }
0x13c: {  	v3 =	vadd.s32 v1, v3;
	_ =	sdelay $0x2  }
0x13d: {  	[hbm4b:s3+s2] =	stream.indirect_vreg.scatter [tilespmem:s16], [sflag:$0x3], $0x80, v4, vm0, $0xb8;
	[tilespmem:$0x6100] =	vst v63  }
0x13e: {  	_ = 	snop  }
0x13f: {  	[hbm4b:s3+s2] =	stream.indirect_vreg.scatter [tilespmem:s22], [sflag:$0x3], $0x80, v3, vm0, $0xb8;
	[tilespmem:$0x6100] =	vst v63  }
0x140: {  	v3 =	vld [tilespmem:$0x10];
	_ =	sdelay $0x4  }
0x141: {  	v61 =	vshll.u32 v3, $0x1  }
0x142: {  	v3 =	vand.u32 $0x7, v3;
	v4 =	vand.u32 $0xFFFFFFF0, v61  }
0x143: {  	v3 =	vor.u32 v3, v4  }
0x144: {  	v4 =	vperm.xlane v3, v0;
	_ =	sdelay $0x1  }
0x145: {  	v3 =	vperm.xlane v3, v2;
	v4 =	vadd.s32 v1, v4;
	_ =	sdelay $0x1  }
0x146: {  	v3 =	vadd.s32 v1, v3;
	_ =	sdelay $0x2  }
0x147: {  	[hbm4b:s3+s2] =	stream.indirect_vreg.scatter [tilespmem:s23], [sflag:$0x3], $0x80, v4, vm0, $0xb8;
	[tilespmem:$0x6100] =	vst v63  }
0x148: {  	_ = 	snop  }
0x149: {  	[hbm4b:s3+s2] =	stream.indirect_vreg.scatter [tilespmem:s24], [sflag:$0x3], $0x80, v3, vm0, $0xb8;
	[tilespmem:$0x6100] =	vst v63  }
0x14a: {  	_ = 	snop  }
0x14b: {  	[hbm4b:s4+s25] =	stream.indirect.scatter [tilespmem:s17], [sflag:$0x3], $0x80, s2, s25, $0xb8;
	[tilespmem:$0x6100] =	vst v63  }
0x14c: {  	_ =	swait.ge [sflag:s28], $0x20  }
0x14d: {  	[sflag:s28] =	ssyncset.done $0x0  }
0x14e: {  	[sflag:s28] =	ssyncadd.s32 $0xFFFFFFE0  }
0x14f: {  	_ =	swait.ge [sflag:s28], $0x2000  }
0x150: {  	[sflag:s28] =	ssyncset.done $0x0  }
0x151: {  	[sflag:s28] =	ssyncadd.s32 $0xFFFFE000  }
0x152: {  	_ =	swait.ge [sflag:s28], $0x1000  }
0x153: {  	[sflag:s28] =	ssyncset.done $0x0  }
0x154: {  	[sflag:s28] =	ssyncadd.s32 $0xFFFFF000  }
0x155: {  	v3 =	vld [tilespmem:$0x80];
	_ =	sdelay $0x4  }
0x156: {  	v62 =	vshll.u32 v3, $0x1  }
0x157: {  	v3 =	vand.u32 $0x7, v3;
	v4 =	vand.u32 $0xFFFFFFF0, v62  }
0x158: {  	v3 =	vor.u32 v3, v4  }
0x159: {  	v4 =	vperm.xlane v3, v0;
	_ =	sdelay $0x1  }
0x15a: {  	v3 =	vperm.xlane v3, v2;
	v4 =	vadd.s32 v1, v4;
	_ =	sdelay $0x1  }
0x15b: {  	v3 =	vadd.s32 v1, v3;
	_ =	sdelay $0x2  }
0x15c: {  	[hbm4b:s3+s2] =	stream.indirect_vreg.scatter [tilespmem:s19], [sflag:$0x4], $0x80, v4, vm0, $0xb8;
	[tilespmem:$0x6100] =	vst v63  }
0x15d: {  	_ = 	snop  }
0x15e: {  	[hbm4b:s3+s2] =	stream.indirect_vreg.scatter [tilespmem:s29], [sflag:$0x4], $0x80, v3, vm0, $0xb8;
	[tilespmem:$0x6100] =	vst v63  }
0x15f: {  	v3 =	vld [tilespmem:$0x90];
	_ =	sdelay $0x4  }
0x160: {  	v63 =	vshll.u32 v3, $0x1  }
0x161: {  	v3 =	vand.u32 $0x7, v3;
	v4 =	vand.u32 $0xFFFFFFF0, v63  }
0x162: {  	v3 =	vor.u32 v3, v4  }
0x163: {  	v4 =	vperm.xlane v3, v0;
	_ =	sdelay $0x1  }
0x164: {  	v3 =	vperm.xlane v3, v2;
	v4 =	vadd.s32 v1, v4;
	_ =	sdelay $0x1  }
0x165: {  	v3 =	vadd.s32 v1, v3;
	_ =	sdelay $0x2  }
0x166: {  	[hbm4b:s3+s2] =	stream.indirect_vreg.scatter [tilespmem:s30], [sflag:$0x4], $0x80, v4, vm0, $0xb8;
	[tilespmem:$0x6100] =	vst v63  }
0x167: {  	_ = 	snop  }
0x168: {  	[hbm4b:s3+s2] =	stream.indirect_vreg.scatter [tilespmem:s31], [sflag:$0x4], $0x80, v3, vm0, $0xb8;
	[tilespmem:$0x6100] =	vst v63  }
0x169: {  	_ = 	snop  }
0x16a: {  	[hbm4b:s4+s25] =	stream.indirect.scatter [tilespmem:s20], [sflag:$0x4], $0x80, s18, s25, $0xb8;
	[tilespmem:$0x6100] =	vst v63  }
0x16b: {  	_ =	swait.ge [sflag:s26], $0x2000  }
0x16c: {  	[sflag:s26] =	ssyncset.done $0x0  }
0x16d: {  	[sflag:s26] =	ssyncadd.s32 $0xFFFFE000  }
0x16e: {  	_ =	swait.ge [sflag:s26], $0x1000  }
0x16f: {  	[sflag:s26] =	ssyncset.done $0x0  }
0x170: {  	[sflag:s26] =	ssyncadd.s32 $0xFFFFF000  }
0x171: {  	p0 =	sne.s32 s15, $0x1;
	_ =	swait.ge [sflag:s1], $0x2000  }
.Ltmp0:
0x172: {  	[sflag:s1] =	ssyncset.done $0x0;
	(pc) =	sbr.rel @p0 .LBB2_1-.Ltmp0, $4  }
0x173: {  	[sflag:s1] =	ssyncadd.s32 $0xFFFFE000  }
0x174: {  	_ =	swait.ge [sflag:s1], $0x1000  }
0x175: {  	[sflag:s1] =	ssyncset.done $0x0  }
0x176: {  	s15 =	sadd.s32 $0xFFFFFFFF, s15;
	[sflag:s1] =	ssyncadd.s32 $0xFFFFF000  }
0x177: {  	_ =	sfence.sel $0x180000  }
0x178: {  	[bflag:$0x0] =	sbarrier.arrive $0xFFFF  }
0x179: {  	_ =	strace $0x90000047  }
0x17a: {  	s0 =	stileid.u32;
	[bflag:$0x2] =	sbarrier.arrive $0xFFFF  }
0x17b: {  	p0 =	sne.s32 s0, $0x0;
	s0 =	rddreg [dreg:$0x3]  }
0x17c: {  	s0 =	sadd.s32 @!p0 $0x100000, s0  }
0x17d: {  	[sflag:s0] =	ssyncadd.tile.s32 @!p0 $0x1;
	_ =	shalt  }
.Lfunc_end2:
_tile_overlayer_lowered:
.L_overlay_start_2:
0x17e: {  	(tag) =	ssettag $0x2  }
0x17f: {  	s0 =	rddreg [dreg:$0x0];
	s2 =	stileid.u32  }
0x180: {  	s1 =	rddreg [dreg:$0x1];
	p0 =	sne.s32 s2, $0x0  }
0x181: {  	s3 =	rddreg [dreg:$0x2];
	[bflag:$0x3] =	sbarrier.arrive $0xFFFF;
	s2 =	simm.s32 @!p0 $0x1C05  }
0x182: {  	[timem:s3], [sflag:s2] =	dma.local @!p0 [hbm:s0], s1  }
0x183: {  	s0 =	simm.s32 @!p0 $0x5  }
0x184: {  	_ =	swait.ge @!p0 [sflag:s0], s1  }
0x185: {  	s1 =	ssub.s32 @!p0 $0x0, s1;
	[sflag:s0] =	ssyncset.done @!p0 $0x0  }
0x186: {  	[sflag:s0] =	ssyncadd.s32 @!p0 s1  }
0x187: {  	[bflag:$0x3] =	sbarrier.arrive $0xFFFF  }
0x188: {  	_ =	shalt  }

</sc_bundles>
